<compile_context>
chip_gen: v7x
topology: tpu7x:2x2x1
jax: 0.10.2.dev20260603
libtpu: 0.0.44.dev20260713+nightly
codegen_flags: <defaults>
</compile_context>

<pallas_src>
import functools

import jax
import jax.numpy as jnp
from jax import lax
from jax.experimental import pallas as pl
from jax.experimental.pallas import tpu as pltpu
from jax.experimental.pallas import tpu_sc as plsc

N = 10000
NPAD = 10240
E = 320000
D = 128
G = 64
EPS = 1e-5

NC = 2
NS = 16
NW = NC * NS
EPT = E // NW
SUB = 80
NSTEP = EPT // SUB
IGRP = 32
NGRP = 4
HR = NPAD // D
RPT = NPAD // NS


def _sc_body(edge_hbm, src3_hbm, z80_hbm, zflat_hbm,
             sums_out, cnt_out,
             acc, ebuf, ibuf, hist, esem, isem, ssem):
    c = lax.axis_index("c")
    s = lax.axis_index("s")
    wid = c * NS + s

    pltpu.sync_copy(src3_hbm.at[wid, pl.ds(0, IGRP)], ibuf.at[0])
    pltpu.sync_copy(z80_hbm, ebuf.at[0])
    pltpu.sync_copy(zflat_hbm, hist)
    row0 = s * RPT

    def _zero(i, _):
        pltpu.async_copy(ebuf.at[0], acc.at[pl.ds(row0 + i * SUB, SUB), :],
                         isem)
        return 0

    lax.fori_loop(0, RPT // SUB, _zero, 0)

    def _zwait(i, _):
        pltpu.make_async_copy(ebuf.at[0],
                              acc.at[pl.ds(row0 + i * SUB, SUB), :],
                              isem).wait()
        return 0

    lax.fori_loop(0, RPT // SUB, _zwait, 0)
    plsc.subcore_barrier()

    ebase = wid * EPT
    ones16 = jnp.full((16,), 1.0, jnp.float32)

    H = SUB // 2

    def _in_fire(i, b):
        e0 = ebase + i * SUB
        pltpu.async_copy(edge_hbm.at[pl.ds(e0, H), :],
                         ebuf.at[b, pl.ds(0, H), :], esem.at[b])
        pltpu.async_copy(edge_hbm.at[pl.ds(e0 + H, H), :],
                         ebuf.at[b, pl.ds(H, H), :], esem.at[b])

    def _in_wait(i, b):
        e0 = ebase + i * SUB
        pltpu.make_async_copy(edge_hbm.at[pl.ds(e0, H), :],
                              ebuf.at[b, pl.ds(0, H), :], esem.at[b]).wait()
        pltpu.make_async_copy(edge_hbm.at[pl.ds(e0 + H, H), :],
                              ebuf.at[b, pl.ds(H, H), :], esem.at[b]).wait()

    def _irow(i):
        return ibuf.at[jnp.bitwise_and(i // IGRP, 1), jnp.remainder(i, IGRP)]

    def _scat_wait(i, b):
        pltpu.make_async_copy(ebuf.at[b], acc.at[_irow(i)], ssem).wait()

    _in_fire(0, 0)
    _in_fire(1, 1)

    def _step(i, _):
        b = jnp.remainder(i, 3)

        @pl.when(i >= 1)
        def _():
            _scat_wait(i - 1, jnp.remainder(i + 2, 3))

        @pl.when(jnp.remainder(i, IGRP) == 0)
        def _():
            g = i // IGRP

            @pl.when(g >= 1)
            def _():
                pltpu.make_async_copy(
                    src3_hbm.at[wid, pl.ds(g * IGRP, IGRP)],
                    ibuf.at[jnp.bitwise_and(g, 1)], isem).wait()

            @pl.when((g + 1) * IGRP < NGRP * IGRP)
            def _():
                pltpu.async_copy(
                    src3_hbm.at[wid, pl.ds((g + 1) * IGRP, IGRP)],
                    ibuf.at[jnp.bitwise_and(g + 1, 1)], isem)

        @pl.when(i + 2 < NSTEP)
        def _():
            _in_fire(i + 2, jnp.remainder(i + 2, 3))

        _in_wait(i, b)
        pltpu.async_copy(ebuf.at[b], acc.at[_irow(i)], ssem, add=True)
        for j in range(SUB // 16):
            iv = ibuf[jnp.bitwise_and(i // IGRP, 1),
                      jnp.remainder(i, IGRP), pl.ds(j * 16, 16)]
            plsc.addupdate_scatter(hist, [iv], ones16)
        return 0

    lax.fori_loop(0, NSTEP, _step, 0)
    _scat_wait(NSTEP - 1, (NSTEP - 1) % 3)
    plsc.subcore_barrier()

    pltpu.async_copy(hist, cnt_out.at[wid], isem)

    def _out(i, _):
        r = row0 + i * SUB
        pltpu.async_copy(acc.at[pl.ds(r, SUB), :],
                         sums_out.at[c, pl.ds(r, SUB), :], esem.at[0])
        return 0

    lax.fori_loop(0, RPT // SUB, _out, 0)

    def _owait(i, _):
        r = row0 + i * SUB
        pltpu.make_async_copy(acc.at[pl.ds(r, SUB), :],
                              sums_out.at[c, pl.ds(r, SUB), :],
                              esem.at[0]).wait()
        return 0

    lax.fori_loop(0, RPT // SUB, _owait, 0)
    pltpu.make_async_copy(hist, cnt_out.at[wid], isem).wait()


_sc_segsum = functools.partial(
    pl.kernel,
    out_type=(
        jax.ShapeDtypeStruct((NC, NPAD, D), jnp.float32),
        jax.ShapeDtypeStruct((NW, HR * D - D), jnp.float32),
    ),
    mesh=plsc.VectorSubcoreMesh(core_axis_name="c", subcore_axis_name="s"),
    compiler_params=pltpu.CompilerParams(needs_layout_passes=False),
    scratch_types=(
        pltpu.VMEM_SHARED((NPAD, D), jnp.float32),
        pltpu.VMEM((3, SUB, D), jnp.float32),
        pltpu.VMEM((2, IGRP, SUB), jnp.int32),
        pltpu.VMEM((HR * D - D,), jnp.float32),
        pltpu.SemaphoreType.DMA((3,)),
        pltpu.SemaphoreType.DMA,
        pltpu.SemaphoreType.DMA,
    ),
)(_sc_body)


def _tc_body(x_ref, s0_ref, s1_ref, ch_ref, b_ref, u_ref,
             W0_ref, W1_ref, W2_ref, b0_ref, b1_ref, b2_ref,
             s0s_ref, s1s_ref, s2s_ref, be0_ref, be1_ref, be2_ref,
             out_ref):
    cnt = jnp.sum(ch_ref[...], axis=0).reshape(BLK, 1)
    v = (s0_ref[...] + s1_ref[...]) / jnp.maximum(cnt, 1.0)
    bidx = b_ref[0, 0, :]
    onehot = (bidx[:, None]
              == lax.broadcasted_iota(jnp.int32, (1, G), 1)).astype(jnp.float32)
    uc = jnp.dot(u_ref[...], W0_ref[2 * D:3 * D, :],
                 preferred_element_type=jnp.float32)
    h = (jnp.dot(x_ref[...], W0_ref[0:D, :], preferred_element_type=jnp.float32)
         + jnp.dot(v, W0_ref[D:2 * D, :], preferred_element_type=jnp.float32)
         + jnp.dot(onehot, uc, preferred_element_type=jnp.float32)
         + b0_ref[...])
    h = jnp.maximum(h, 0.0) * s0s_ref[...] + be0_ref[...]
    h = jnp.dot(h, W1_ref[...], preferred_element_type=jnp.float32) + b1_ref[...]
    h = jnp.maximum(h, 0.0) * s1s_ref[...] + be1_ref[...]
    h = jnp.dot(h, W2_ref[...], preferred_element_type=jnp.float32) + b2_ref[...]
    h = jnp.maximum(h, 0.0) * s2s_ref[...] + be2_ref[...]
    out_ref[...] = h


BLK = 1024
NB = -(-N // BLK)


def _tc_mlp(x, s0, s1, cnth, batch3, u, W0, W1, W2,
            b0, b1, b2, s0s, s1s, s2s, be0, be1, be2):
    row = lambda i: (i, 0)
    full = lambda i: (0, 0)
    vec3 = pl.BlockSpec((1, 1, BLK), lambda i: (i, 0, 0))
    return pl.pallas_call(
        _tc_body,
        grid=(NB,),
        in_specs=[
            pl.BlockSpec((BLK, D), row),
            pl.BlockSpec((BLK, D), row),
            pl.BlockSpec((BLK, D), row),
            pl.BlockSpec((NW, BLK), lambda i: (0, i)),
            vec3,
            pl.BlockSpec((G, D), full),
            pl.BlockSpec((3 * D, D), full),
            pl.BlockSpec((D, D), full),
            pl.BlockSpec((D, D), full),
        ] + [pl.BlockSpec((1, D), full)] * 9,
        out_specs=pl.BlockSpec((BLK, D), row),
        out_shape=jax.ShapeDtypeStruct((N, D), jnp.float32),
    )(x, s0, s1, cnth, batch3, u, W0, W1, W2,
      b0, b1, b2, s0s, s1s, s2s, be0, be1, be2)


def kernel(x, edge_index, edge_attr, u, batch, W0, b0, W1, b1, W2, b2,
           g0, be0, g1, be1, g2, be2):
    src3 = edge_index[0, :].reshape(NW, NSTEP, SUB)
    src3 = jnp.concatenate(
        [src3, jnp.zeros((NW, NGRP * IGRP - NSTEP, SUB), jnp.int32)], axis=1)
    z80 = jnp.zeros((SUB, D), jnp.float32)
    zflat = jnp.zeros((HR * D - D,), jnp.float32)
    sums_p, cnth = _sc_segsum(edge_attr, src3, z80, zflat)

    inv_std = 1.0 / jnp.sqrt(1.0 + EPS)
    r = lambda a: a.reshape(1, D)
    bp = jnp.zeros((NB * BLK,), jnp.int32).at[:N].set(batch)
    return _tc_mlp(
        x, sums_p[0], sums_p[1], cnth,
        bp.reshape(NB, 1, BLK), u, W0, W1, W2,
        r(b0), r(b1), r(b2),
        r(g0 * inv_std), r(g1 * inv_std), r(g2 * inv_std),
        r(be0), r(be1), r(be2))

# --- scband reference (transcript-rebuilt; emitter-appended) ---
"""Pipeline reference for scband-megnet-node-model-36301063586429 (READ-ONLY COPY).

The authoritative reference and input builder live on the scoring server;
editing this copy changes nothing except your own understanding.
"""

import jax, jax.numpy as jnp
import numpy as np

N = 10000
E = 320000
D = 128
G = 64
EPS = 1e-5


def setup_inputs(seed: int = 0) -> dict:
    key = jax.random.key(seed)
    ks = jax.random.split(key, 12)
    x = jax.random.normal(ks[0], (N, D), dtype=jnp.float32)
    edge_index = jax.random.randint(ks[1], (2, E), 0, N, dtype=jnp.int32)
    edge_attr = jax.random.normal(ks[2], (E, D), dtype=jnp.float32)
    u = jax.random.normal(ks[3], (G, D), dtype=jnp.float32)
    batch = jnp.sort(jax.random.randint(ks[4], (N,), 0, G, dtype=jnp.int32))
    # MLP params (torch Linear: out = inp @ W + b, W stored here as [in, out])
    W0 = jax.random.normal(ks[5], (3 * D, D), dtype=jnp.float32) * 0.05
    b0 = jnp.zeros((D,), dtype=jnp.float32)
    W1 = jax.random.normal(ks[6], (D, D), dtype=jnp.float32) * 0.05
    b1 = jnp.zeros((D,), dtype=jnp.float32)
    W2 = jax.random.normal(ks[7], (D, D), dtype=jnp.float32) * 0.05
    b2 = jnp.zeros((D,), dtype=jnp.float32)
    # BatchNorm affine params (eval mode: running_mean=0, running_var=1)
    g0 = jnp.ones((D,), dtype=jnp.float32)
    be0 = jnp.zeros((D,), dtype=jnp.float32)
    g1 = jnp.ones((D,), dtype=jnp.float32)
    be1 = jnp.zeros((D,), dtype=jnp.float32)
    g2 = jnp.ones((D,), dtype=jnp.float32)
    be2 = jnp.zeros((D,), dtype=jnp.float32)
    return {"x": x, "edge_index": edge_index, "edge_attr": edge_attr, "u": u,
            "batch": batch, "W0": W0, "b0": b0, "W1": W1, "b1": b1,
            "W2": W2, "b2": b2, "g0": g0, "be0": be0, "g1": g1, "be1": be1,
            "g2": g2, "be2": be2}


def reference(x, edge_index, edge_attr, u, batch, W0, b0, W1, b1, W2, b2,
              g0, be0, g1, be1, g2, be2):
    src = edge_index[0, :]
    # scatter_mean(edge_attr, src, dim=0) with output length N
    sums = jax.ops.segment_sum(edge_attr, src, num_segments=N)
    cnt = jax.ops.segment_sum(jnp.ones((E, 1), dtype=edge_attr.dtype), src, num_segments=N)
    v_e = sums / jnp.maximum(cnt, 1.0)
    comb = jnp.concatenate([x, v_e, u[batch]], axis=1)
    out = comb
    inv_std = 1.0 / jnp.sqrt(1.0 + EPS)  # eval BN: running_mean=0, running_var=1
    for W, b, g, be in ((W0, b0, g0, be0), (W1, b1, g1, be1), (W2, b2, g2, be2)):
        out = jax.nn.relu(out @ W + b)
        out = out * inv_std * g + be
        # dropout is identity in eval mode
    return out

if __name__ == "__main__":
    import jax
    _d = setup_inputs()
    print(jax.jit(kernel)(*tuple(_d.values())))

</pallas_src>

<mosaic_0001>
#map = affine_map<(d0, d1) -> (0, 0)>
#map1 = affine_map<(d0, d1) -> (0, 0, 0)>
#map2 = affine_map<(d0, d1) -> (0)>
module attributes {stable_mosaic.version = 14 : i64} {
  func.func @_sc_body(%arg0: i32, %arg1: i32, %arg2: memref<320000x128xf32, #tpu.memory_space<hbm>>, %arg3: memref<32x128x80xi32, #tpu.memory_space<hbm>>, %arg4: memref<80x128xf32, #tpu.memory_space<hbm>>, %arg5: memref<10112xf32, #tpu.memory_space<hbm>>, %arg6: memref<2x10240x128xf32, #tpu.memory_space<hbm>>, %arg7: memref<32x10112xf32, #tpu.memory_space<hbm>>, %arg8: memref<10240x128xf32, #tpu.memory_space<vmem_shared>>, %arg9: memref<3x80x128xf32, #tpu.memory_space<vmem>>, %arg10: memref<2x32x80xi32, #tpu.memory_space<vmem>>, %arg11: memref<10112xf32, #tpu.memory_space<vmem>>, %arg12: memref<3x!tpu.dma_semaphore, #tpu.memory_space<semaphore_mem>>, %arg13: memref<!tpu.dma_semaphore, #tpu.memory_space<semaphore_mem>>, %arg14: memref<!tpu.dma_semaphore, #tpu.memory_space<semaphore_mem>>) attributes {dimension_semantics = [#tpu.dimension_semantics<core_parallel>, #tpu.dimension_semantics<subcore_parallel>], iteration_bounds = array<i64: 2, 16>, scalar_prefetch = 0 : i64, scratch_operands = 7 : i64, tpu.core_type = #tpu.core_type<sc_vector_subcore>, window_params = [{transform_indices = #map}, {transform_indices = #map1}, {transform_indices = #map}, {transform_indices = #map2}, {transform_indices = #map1}, {transform_indices = #map}]} {
    %mul3A = arith.constant 16 : i32
    %mul3A_0 = arith.muli %arg0, %mul3A : i32
    %add3A = arith.addi %mul3A_0, %arg1 : i32
    %run_scoped3A = arith.constant 0 : i32
    "tpu.region"() ({
      %run_scoped3A_148 = tpu.sem_alloc : memref<!tpu.dma_semaphore, #tpu.memory_space<semaphore_mem>>
      %dma_start3A_149 = arith.constant 0 : i32
      %dma_start3A_150 = arith.constant 0 : i32
      %dma_start3A_151 = tpu.memref_slice %arg10[%run_scoped3A, %dma_start3A_149, %dma_start3A_150] : memref<2x32x80xi32, #tpu.memory_space<vmem>> -> memref<1x32x80xi32, #tpu.memory_space<vmem>>
      %dma_start3A_152 = tpu.memref_squeeze %dma_start3A_151 : memref<1x32x80xi32, #tpu.memory_space<vmem>> -> memref<32x80xi32, #tpu.memory_space<vmem>>
      %dma_start3A_153 = arith.constant 0 : i32
      %dma_start3A_154 = arith.constant 0 : i32
      %dma_start3A_155 = tpu.memref_slice %arg3[%add3A, %dma_start3A_153, %dma_start3A_154] : memref<32x128x80xi32, #tpu.memory_space<hbm>> -> memref<1x32x80xi32, #tpu.memory_space<hbm>>
      %dma_start3A_156 = tpu.memref_squeeze %dma_start3A_155 : memref<1x32x80xi32, #tpu.memory_space<hbm>> -> memref<32x80xi32, #tpu.memory_space<hbm>>
      %dma_start3A_157 = arith.constant 0 : i32
      %dma_start3A_158 = arith.constant 0 : i32
      %dma_start3A_159 = tpu.memref_slice %arg10[%run_scoped3A, %dma_start3A_157, %dma_start3A_158] : memref<2x32x80xi32, #tpu.memory_space<vmem>> -> memref<1x32x80xi32, #tpu.memory_space<vmem>>
      %dma_start3A_160 = tpu.memref_squeeze %dma_start3A_159 : memref<1x32x80xi32, #tpu.memory_space<vmem>> -> memref<32x80xi32, #tpu.memory_space<vmem>>
      %dma_start3A_161 = arith.constant 0 : i32
      %dma_start3A_162 = arith.constant 0 : i32
      %dma_start3A_163 = tpu.memref_slice %arg3[%add3A, %dma_start3A_161, %dma_start3A_162] : memref<32x128x80xi32, #tpu.memory_space<hbm>> -> memref<1x32x80xi32, #tpu.memory_space<hbm>>
      %dma_start3A_164 = tpu.memref_squeeze %dma_start3A_163 : memref<1x32x80xi32, #tpu.memory_space<hbm>> -> memref<32x80xi32, #tpu.memory_space<hbm>>
      tpu.enqueue_dma source(%dma_start3A_164 : memref<32x80xi32, #tpu.memory_space<hbm>>) target(%dma_start3A_160 : memref<32x80xi32, #tpu.memory_space<vmem>>) target_semaphore(%run_scoped3A_148 : memref<!tpu.dma_semaphore, #tpu.memory_space<semaphore_mem>>)
      %dma_wait3A_165 = arith.constant 0 : i32
      %dma_wait3A_166 = arith.constant 0 : i32
      %dma_wait3A_167 = tpu.memref_slice %arg10[%run_scoped3A, %dma_wait3A_165, %dma_wait3A_166] : memref<2x32x80xi32, #tpu.memory_space<vmem>> -> memref<1x32x80xi32, #tpu.memory_space<vmem>>
      %dma_wait3A_168 = tpu.memref_squeeze %dma_wait3A_167 : memref<1x32x80xi32, #tpu.memory_space<vmem>> -> memref<32x80xi32, #tpu.memory_space<vmem>>
      %dma_wait3A_169 = arith.constant 0 : i32
      %dma_wait3A_170 = arith.constant 0 : i32
      %dma_wait3A_171 = tpu.memref_slice %arg3[%add3A, %dma_wait3A_169, %dma_wait3A_170] : memref<32x128x80xi32, #tpu.memory_space<hbm>> -> memref<1x32x80xi32, #tpu.memory_space<hbm>>
      %dma_wait3A_172 = tpu.memref_squeeze %dma_wait3A_171 : memref<1x32x80xi32, #tpu.memory_space<hbm>> -> memref<32x80xi32, #tpu.memory_space<hbm>>
      %dma_wait3A_173 = arith.constant 0 : i32
      %dma_wait3A_174 = arith.constant 0 : i32
      %dma_wait3A_175 = tpu.memref_slice %arg10[%run_scoped3A, %dma_wait3A_173, %dma_wait3A_174] : memref<2x32x80xi32, #tpu.memory_space<vmem>> -> memref<1x32x80xi32, #tpu.memory_space<vmem>>
      %dma_wait3A_176 = tpu.memref_squeeze %dma_wait3A_175 : memref<1x32x80xi32, #tpu.memory_space<vmem>> -> memref<32x80xi32, #tpu.memory_space<vmem>>
      %dma_wait3A_177 = arith.constant 0 : i32
      %dma_wait3A_178 = arith.constant 0 : i32
      %dma_wait3A_179 = tpu.memref_slice %arg3[%add3A, %dma_wait3A_177, %dma_wait3A_178] : memref<32x128x80xi32, #tpu.memory_space<hbm>> -> memref<1x32x80xi32, #tpu.memory_space<hbm>>
      %dma_wait3A_180 = tpu.memref_squeeze %dma_wait3A_179 : memref<1x32x80xi32, #tpu.memory_space<hbm>> -> memref<32x80xi32, #tpu.memory_space<hbm>>
      tpu.wait_dma2 semaphore(%run_scoped3A_148 : memref<!tpu.dma_semaphore, #tpu.memory_space<semaphore_mem>>) src(%dma_wait3A_180 : memref<32x80xi32, #tpu.memory_space<hbm>>) dst(%dma_wait3A_176 : memref<32x80xi32, #tpu.memory_space<vmem>>)
      tpu.yield
    }) : () -> ()
    %run_scoped3A_1 = arith.constant 0 : i32
    "tpu.region"() ({
      %run_scoped3A_148 = tpu.sem_alloc : memref<!tpu.dma_semaphore, #tpu.memory_space<semaphore_mem>>
      %dma_start3A_149 = arith.constant 0 : i32
      %dma_start3A_150 = arith.constant 0 : i32
      %dma_start3A_151 = tpu.memref_slice %arg9[%run_scoped3A_1, %dma_start3A_149, %dma_start3A_150] : memref<3x80x128xf32, #tpu.memory_space<vmem>> -> memref<1x80x128xf32, #tpu.memory_space<vmem>>
      %dma_start3A_152 = tpu.memref_squeeze %dma_start3A_151 : memref<1x80x128xf32, #tpu.memory_space<vmem>> -> memref<80x128xf32, #tpu.memory_space<vmem>>
      %dma_start3A_153 = arith.constant 0 : i32
      %dma_start3A_154 = arith.constant 0 : i32
      %dma_start3A_155 = tpu.memref_slice %arg9[%run_scoped3A_1, %dma_start3A_153, %dma_start3A_154] : memref<3x80x128xf32, #tpu.memory_space<vmem>> -> memref<1x80x128xf32, #tpu.memory_space<vmem>>
      %dma_start3A_156 = tpu.memref_squeeze %dma_start3A_155 : memref<1x80x128xf32, #tpu.memory_space<vmem>> -> memref<80x128xf32, #tpu.memory_space<vmem>>
      tpu.enqueue_dma source(%arg4 : memref<80x128xf32, #tpu.memory_space<hbm>>) target(%dma_start3A_156 : memref<80x128xf32, #tpu.memory_space<vmem>>) target_semaphore(%run_scoped3A_148 : memref<!tpu.dma_semaphore, #tpu.memory_space<semaphore_mem>>)
      %dma_wait3A_157 = arith.constant 0 : i32
      %dma_wait3A_158 = arith.constant 0 : i32
      %dma_wait3A_159 = tpu.memref_slice %arg9[%run_scoped3A_1, %dma_wait3A_157, %dma_wait3A_158] : memref<3x80x128xf32, #tpu.memory_space<vmem>> -> memref<1x80x128xf32, #tpu.memory_space<vmem>>
      %dma_wait3A_160 = tpu.memref_squeeze %dma_wait3A_159 : memref<1x80x128xf32, #tpu.memory_space<vmem>> -> memref<80x128xf32, #tpu.memory_space<vmem>>
      %dma_wait3A_161 = arith.constant 0 : i32
      %dma_wait3A_162 = arith.constant 0 : i32
      %dma_wait3A_163 = tpu.memref_slice %arg9[%run_scoped3A_1, %dma_wait3A_161, %dma_wait3A_162] : memref<3x80x128xf32, #tpu.memory_space<vmem>> -> memref<1x80x128xf32, #tpu.memory_space<vmem>>
      %dma_wait3A_164 = tpu.memref_squeeze %dma_wait3A_163 : memref<1x80x128xf32, #tpu.memory_space<vmem>> -> memref<80x128xf32, #tpu.memory_space<vmem>>
      tpu.wait_dma2 semaphore(%run_scoped3A_148 : memref<!tpu.dma_semaphore, #tpu.memory_space<semaphore_mem>>) src(%arg4 : memref<80x128xf32, #tpu.memory_space<hbm>>) dst(%dma_wait3A_164 : memref<80x128xf32, #tpu.memory_space<vmem>>)
      tpu.yield
    }) : () -> ()
    "tpu.region"() ({
      %run_scoped3A_148 = tpu.sem_alloc : memref<!tpu.dma_semaphore, #tpu.memory_space<semaphore_mem>>
      tpu.enqueue_dma source(%arg5 : memref<10112xf32, #tpu.memory_space<hbm>>) target(%arg11 : memref<10112xf32, #tpu.memory_space<vmem>>) target_semaphore(%run_scoped3A_148 : memref<!tpu.dma_semaphore, #tpu.memory_space<semaphore_mem>>)
      tpu.wait_dma2 semaphore(%run_scoped3A_148 : memref<!tpu.dma_semaphore, #tpu.memory_space<semaphore_mem>>) src(%arg5 : memref<10112xf32, #tpu.memory_space<hbm>>) dst(%arg11 : memref<10112xf32, #tpu.memory_space<vmem>>)
      tpu.yield
    }) : () -> ()
    %mul3A_2 = arith.constant 640 : i32
    %mul3A_3 = arith.muli %arg1, %mul3A_2 : i32
    %scan3A = arith.constant 0 : i32
    %scan3A_4 = arith.constant 0 : i32
    %scan3A_5 = arith.constant 8 : i32
    %scan3A_6 = arith.addi %scan3A_4, %scan3A_5 : i32
    %scan3A_7 = arith.constant 1 : i32
    %scan3A_8 = scf.for %scan3A_148 = %scan3A_4 to %scan3A_6 step %scan3A_7 iter_args(%scan3A_149 = %scan3A) -> (i32)  : i32 {
      %mul3A_150 = arith.constant 80 : i32
      %mul3A_151 = arith.muli %scan3A_148, %mul3A_150 : i32
      %add3A_152 = arith.addi %mul3A_3, %mul3A_151 : i32
      %dma_start3A_153 = arith.constant 0 : i32
      %dma_start3A_154 = arith.constant 0 : i32
      %dma_start3A_155 = arith.constant 0 : i32
      %dma_start3A_156 = tpu.memref_slice %arg9[%dma_start3A_153, %dma_start3A_154, %dma_start3A_155] : memref<3x80x128xf32, #tpu.memory_space<vmem>> -> memref<1x80x128xf32, #tpu.memory_space<vmem>>
      %dma_start3A_157 = tpu.memref_squeeze %dma_start3A_156 : memref<1x80x128xf32, #tpu.memory_space<vmem>> -> memref<80x128xf32, #tpu.memory_space<vmem>>
      %dma_start3A_158 = arith.constant 0 : i32
      %dma_start3A_159 = tpu.memref_slice %arg8[%add3A_152, %dma_start3A_158] : memref<10240x128xf32, #tpu.memory_space<vmem_shared>> -> memref<80x128xf32, #tpu.memory_space<vmem_shared>>
      %dma_start3A_160 = arith.constant 0 : i32
      %dma_start3A_161 = tpu.memref_slice %arg8[%add3A_152, %dma_start3A_160] : memref<10240x128xf32, #tpu.memory_space<vmem_shared>> -> memref<80x128xf32, #tpu.memory_space<vmem_shared>>
      %dma_start3A_162 = arith.constant 0 : i32
      %dma_start3A_163 = arith.constant 0 : i32
      %dma_start3A_164 = tpu.memref_slice %arg9[%dma_start3A_153, %dma_start3A_162, %dma_start3A_163] : memref<3x80x128xf32, #tpu.memory_space<vmem>> -> memref<1x80x128xf32, #tpu.memory_space<vmem>>
      %dma_start3A_165 = tpu.memref_squeeze %dma_start3A_164 : memref<1x80x128xf32, #tpu.memory_space<vmem>> -> memref<80x128xf32, #tpu.memory_space<vmem>>
      tpu.enqueue_dma source(%dma_start3A_165 : memref<80x128xf32, #tpu.memory_space<vmem>>) target(%dma_start3A_161 : memref<80x128xf32, #tpu.memory_space<vmem_shared>>) target_semaphore(%arg13 : memref<!tpu.dma_semaphore, #tpu.memory_space<semaphore_mem>>)
      %scan3A_166 = arith.constant 0 : i32
      scf.yield %scan3A_166 : i32
    }
    %scan3A_9 = arith.constant 8 : i32
    %scan3A_10 = arith.constant 0 : i32
    %scan3A_11 = arith.constant 0 : i32
    %scan3A_12 = arith.constant 8 : i32
    %scan3A_13 = arith.addi %scan3A_11, %scan3A_12 : i32
    %scan3A_14 = arith.constant 1 : i32
    %scan3A_15 = scf.for %scan3A_148 = %scan3A_11 to %scan3A_13 step %scan3A_14 iter_args(%scan3A_149 = %scan3A_10) -> (i32)  : i32 {
      %mul3A_150 = arith.constant 80 : i32
      %mul3A_151 = arith.muli %scan3A_148, %mul3A_150 : i32
      %add3A_152 = arith.addi %mul3A_3, %mul3A_151 : i32
      %dma_wait3A_153 = arith.constant 0 : i32
      %dma_wait3A_154 = arith.constant 0 : i32
      %dma_wait3A_155 = arith.constant 0 : i32
      %dma_wait3A_156 = tpu.memref_slice %arg9[%dma_wait3A_153, %dma_wait3A_154, %dma_wait3A_155] : memref<3x80x128xf32, #tpu.memory_space<vmem>> -> memref<1x80x128xf32, #tpu.memory_space<vmem>>
      %dma_wait3A_157 = tpu.memref_squeeze %dma_wait3A_156 : memref<1x80x128xf32, #tpu.memory_space<vmem>> -> memref<80x128xf32, #tpu.memory_space<vmem>>
      %dma_wait3A_158 = arith.constant 0 : i32
      %dma_wait3A_159 = tpu.memref_slice %arg8[%add3A_152, %dma_wait3A_158] : memref<10240x128xf32, #tpu.memory_space<vmem_shared>> -> memref<80x128xf32, #tpu.memory_space<vmem_shared>>
      %dma_wait3A_160 = arith.constant 0 : i32
      %dma_wait3A_161 = tpu.memref_slice %arg8[%add3A_152, %dma_wait3A_160] : memref<10240x128xf32, #tpu.memory_space<vmem_shared>> -> memref<80x128xf32, #tpu.memory_space<vmem_shared>>
      %dma_wait3A_162 = arith.constant 0 : i32
      %dma_wait3A_163 = arith.constant 0 : i32
      %dma_wait3A_164 = tpu.memref_slice %arg9[%dma_wait3A_153, %dma_wait3A_162, %dma_wait3A_163] : memref<3x80x128xf32, #tpu.memory_space<vmem>> -> memref<1x80x128xf32, #tpu.memory_space<vmem>>
      %dma_wait3A_165 = tpu.memref_squeeze %dma_wait3A_164 : memref<1x80x128xf32, #tpu.memory_space<vmem>> -> memref<80x128xf32, #tpu.memory_space<vmem>>
      tpu.wait_dma2 semaphore(%arg13 : memref<!tpu.dma_semaphore, #tpu.memory_space<semaphore_mem>>) src(%dma_wait3A_165 : memref<80x128xf32, #tpu.memory_space<vmem>>) dst(%dma_wait3A_161 : memref<80x128xf32, #tpu.memory_space<vmem_shared>>)
      %scan3A_166 = arith.constant 0 : i32
      scf.yield %scan3A_166 : i32
    }
    %scan3A_16 = arith.constant 8 : i32
    %barrier3A = arith.constant 0 : index
    tpu.barrier barrier_id(%barrier3A)
    %mul3A_17 = arith.constant 10000 : i32
    %mul3A_18 = arith.muli %add3A, %mul3A_17 : i32
    %broadcast_in_dim3A = arith.constant 1.000000e+00 : f32
    %broadcast_in_dim3A_19 = vector.broadcast %broadcast_in_dim3A : f32 to vector<16xf32>
    %add3A_20 = arith.constant 0 : i32
    %add3A_21 = arith.addi %mul3A_18, %add3A_20 : i32
    %dma_start3A = arith.constant 0 : i32
    %dma_start3A_22 = arith.constant 0 : i32
    %dma_start3A_23 = arith.constant 0 : i32
    %dma_start3A_24 = arith.constant 0 : i32
    %dma_start3A_25 = tpu.memref_slice %arg9[%dma_start3A, %dma_start3A_23, %dma_start3A_24] : memref<3x80x128xf32, #tpu.memory_space<vmem>> -> memref<1x40x128xf32, #tpu.memory_space<vmem>>
    %dma_start3A_26 = tpu.memref_squeeze %dma_start3A_25 : memref<1x40x128xf32, #tpu.memory_space<vmem>> -> memref<40x128xf32, #tpu.memory_space<vmem>>
    %dma_start3A_27 = arith.constant 0 : i32
    %dma_start3A_28 = tpu.memref_slice %arg2[%add3A_21, %dma_start3A_27] : memref<320000x128xf32, #tpu.memory_space<hbm>> -> memref<40x128xf32, #tpu.memory_space<hbm>>
    %dma_start3A_29 = tpu.memref_slice %arg12[%dma_start3A_22] : memref<3x!tpu.dma_semaphore, #tpu.memory_space<semaphore_mem>> -> memref<1x!tpu.dma_semaphore, #tpu.memory_space<semaphore_mem>>
    %dma_start3A_30 = tpu.memref_squeeze %dma_start3A_29 : memref<1x!tpu.dma_semaphore, #tpu.memory_space<semaphore_mem>> -> memref<!tpu.dma_semaphore, #tpu.memory_space<semaphore_mem>>
    %dma_start3A_31 = arith.constant 0 : i32
    %dma_start3A_32 = arith.constant 0 : i32
    %dma_start3A_33 = tpu.memref_slice %arg9[%dma_start3A, %dma_start3A_31, %dma_start3A_32] : memref<3x80x128xf32, #tpu.memory_space<vmem>> -> memref<1x40x128xf32, #tpu.memory_space<vmem>>
    %dma_start3A_34 = tpu.memref_squeeze %dma_start3A_33 : memref<1x40x128xf32, #tpu.memory_space<vmem>> -> memref<40x128xf32, #tpu.memory_space<vmem>>
    %dma_start3A_35 = arith.constant 0 : i32
    %dma_start3A_36 = tpu.memref_slice %arg2[%add3A_21, %dma_start3A_35] : memref<320000x128xf32, #tpu.memory_space<hbm>> -> memref<40x128xf32, #tpu.memory_space<hbm>>
    tpu.enqueue_dma source(%dma_start3A_36 : memref<40x128xf32, #tpu.memory_space<hbm>>) target(%dma_start3A_34 : memref<40x128xf32, #tpu.memory_space<vmem>>) target_semaphore(%dma_start3A_30 : memref<!tpu.dma_semaphore, #tpu.memory_space<semaphore_mem>>)
    %add3A_37 = arith.constant 40 : i32
    %add3A_38 = arith.addi %add3A_21, %add3A_37 : i32
    %dma_start3A_39 = arith.constant 0 : i32
    %dma_start3A_40 = arith.constant 0 : i32
    %dma_start3A_41 = arith.constant 40 : i32
    %dma_start3A_42 = arith.constant 0 : i32
    %dma_start3A_43 = tpu.memref_slice %arg9[%dma_start3A_39, %dma_start3A_41, %dma_start3A_42] : memref<3x80x128xf32, #tpu.memory_space<vmem>> -> memref<1x40x128xf32, #tpu.memory_space<vmem>>
    %dma_start3A_44 = tpu.memref_squeeze %dma_start3A_43 : memref<1x40x128xf32, #tpu.memory_space<vmem>> -> memref<40x128xf32, #tpu.memory_space<vmem>>
    %dma_start3A_45 = arith.constant 0 : i32
    %dma_start3A_46 = tpu.memref_slice %arg2[%add3A_38, %dma_start3A_45] : memref<320000x128xf32, #tpu.memory_space<hbm>> -> memref<40x128xf32, #tpu.memory_space<hbm>>
    %dma_start3A_47 = tpu.memref_slice %arg12[%dma_start3A_40] : memref<3x!tpu.dma_semaphore, #tpu.memory_space<semaphore_mem>> -> memref<1x!tpu.dma_semaphore, #tpu.memory_space<semaphore_mem>>
    %dma_start3A_48 = tpu.memref_squeeze %dma_start3A_47 : memref<1x!tpu.dma_semaphore, #tpu.memory_space<semaphore_mem>> -> memref<!tpu.dma_semaphore, #tpu.memory_space<semaphore_mem>>
    %dma_start3A_49 = arith.constant 40 : i32
    %dma_start3A_50 = arith.constant 0 : i32
    %dma_start3A_51 = tpu.memref_slice %arg9[%dma_start3A_39, %dma_start3A_49, %dma_start3A_50] : memref<3x80x128xf32, #tpu.memory_space<vmem>> -> memref<1x40x128xf32, #tpu.memory_space<vmem>>
    %dma_start3A_52 = tpu.memref_squeeze %dma_start3A_51 : memref<1x40x128xf32, #tpu.memory_space<vmem>> -> memref<40x128xf32, #tpu.memory_space<vmem>>
    %dma_start3A_53 = arith.constant 0 : i32
    %dma_start3A_54 = tpu.memref_slice %arg2[%add3A_38, %dma_start3A_53] : memref<320000x128xf32, #tpu.memory_space<hbm>> -> memref<40x128xf32, #tpu.memory_space<hbm>>
    tpu.enqueue_dma source(%dma_start3A_54 : memref<40x128xf32, #tpu.memory_space<hbm>>) target(%dma_start3A_52 : memref<40x128xf32, #tpu.memory_space<vmem>>) target_semaphore(%dma_start3A_48 : memref<!tpu.dma_semaphore, #tpu.memory_space<semaphore_mem>>)
    %add3A_55 = arith.constant 80 : i32
    %add3A_56 = arith.addi %mul3A_18, %add3A_55 : i32
    %dma_start3A_57 = arith.constant 1 : i32
    %dma_start3A_58 = arith.constant 1 : i32
    %dma_start3A_59 = arith.constant 0 : i32
    %dma_start3A_60 = arith.constant 0 : i32
    %dma_start3A_61 = tpu.memref_slice %arg9[%dma_start3A_57, %dma_start3A_59, %dma_start3A_60] : memref<3x80x128xf32, #tpu.memory_space<vmem>> -> memref<1x40x128xf32, #tpu.memory_space<vmem>>
    %dma_start3A_62 = tpu.memref_squeeze %dma_start3A_61 : memref<1x40x128xf32, #tpu.memory_space<vmem>> -> memref<40x128xf32, #tpu.memory_space<vmem>>
    %dma_start3A_63 = arith.constant 0 : i32
    %dma_start3A_64 = tpu.memref_slice %arg2[%add3A_56, %dma_start3A_63] : memref<320000x128xf32, #tpu.memory_space<hbm>> -> memref<40x128xf32, #tpu.memory_space<hbm>>
    %dma_start3A_65 = tpu.memref_slice %arg12[%dma_start3A_58] : memref<3x!tpu.dma_semaphore, #tpu.memory_space<semaphore_mem>> -> memref<1x!tpu.dma_semaphore, #tpu.memory_space<semaphore_mem>>
    %dma_start3A_66 = tpu.memref_squeeze %dma_start3A_65 : memref<1x!tpu.dma_semaphore, #tpu.memory_space<semaphore_mem>> -> memref<!tpu.dma_semaphore, #tpu.memory_space<semaphore_mem>>
    %dma_start3A_67 = arith.constant 0 : i32
    %dma_start3A_68 = arith.constant 0 : i32
    %dma_start3A_69 = tpu.memref_slice %arg9[%dma_start3A_57, %dma_start3A_67, %dma_start3A_68] : memref<3x80x128xf32, #tpu.memory_space<vmem>> -> memref<1x40x128xf32, #tpu.memory_space<vmem>>
    %dma_start3A_70 = tpu.memref_squeeze %dma_start3A_69 : memref<1x40x128xf32, #tpu.memory_space<vmem>> -> memref<40x128xf32, #tpu.memory_space<vmem>>
    %dma_start3A_71 = arith.constant 0 : i32
    %dma_start3A_72 = tpu.memref_slice %arg2[%add3A_56, %dma_start3A_71] : memref<320000x128xf32, #tpu.memory_space<hbm>> -> memref<40x128xf32, #tpu.memory_space<hbm>>
    tpu.enqueue_dma source(%dma_start3A_72 : memref<40x128xf32, #tpu.memory_space<hbm>>) target(%dma_start3A_70 : memref<40x128xf32, #tpu.memory_space<vmem>>) target_semaphore(%dma_start3A_66 : memref<!tpu.dma_semaphore, #tpu.memory_space<semaphore_mem>>)
    %add3A_73 = arith.constant 40 : i32
    %add3A_74 = arith.addi %add3A_56, %add3A_73 : i32
    %dma_start3A_75 = arith.constant 1 : i32
    %dma_start3A_76 = arith.constant 1 : i32
    %dma_start3A_77 = arith.constant 40 : i32
    %dma_start3A_78 = arith.constant 0 : i32
    %dma_start3A_79 = tpu.memref_slice %arg9[%dma_start3A_75, %dma_start3A_77, %dma_start3A_78] : memref<3x80x128xf32, #tpu.memory_space<vmem>> -> memref<1x40x128xf32, #tpu.memory_space<vmem>>
    %dma_start3A_80 = tpu.memref_squeeze %dma_start3A_79 : memref<1x40x128xf32, #tpu.memory_space<vmem>> -> memref<40x128xf32, #tpu.memory_space<vmem>>
    %dma_start3A_81 = arith.constant 0 : i32
    %dma_start3A_82 = tpu.memref_slice %arg2[%add3A_74, %dma_start3A_81] : memref<320000x128xf32, #tpu.memory_space<hbm>> -> memref<40x128xf32, #tpu.memory_space<hbm>>
    %dma_start3A_83 = tpu.memref_slice %arg12[%dma_start3A_76] : memref<3x!tpu.dma_semaphore, #tpu.memory_space<semaphore_mem>> -> memref<1x!tpu.dma_semaphore, #tpu.memory_space<semaphore_mem>>
    %dma_start3A_84 = tpu.memref_squeeze %dma_start3A_83 : memref<1x!tpu.dma_semaphore, #tpu.memory_space<semaphore_mem>> -> memref<!tpu.dma_semaphore, #tpu.memory_space<semaphore_mem>>
    %dma_start3A_85 = arith.constant 40 : i32
    %dma_start3A_86 = arith.constant 0 : i32
    %dma_start3A_87 = tpu.memref_slice %arg9[%dma_start3A_75, %dma_start3A_85, %dma_start3A_86] : memref<3x80x128xf32, #tpu.memory_space<vmem>> -> memref<1x40x128xf32, #tpu.memory_space<vmem>>
    %dma_start3A_88 = tpu.memref_squeeze %dma_start3A_87 : memref<1x40x128xf32, #tpu.memory_space<vmem>> -> memref<40x128xf32, #tpu.memory_space<vmem>>
    %dma_start3A_89 = arith.constant 0 : i32
    %dma_start3A_90 = tpu.memref_slice %arg2[%add3A_74, %dma_start3A_89] : memref<320000x128xf32, #tpu.memory_space<hbm>> -> memref<40x128xf32, #tpu.memory_space<hbm>>
    tpu.enqueue_dma source(%dma_start3A_90 : memref<40x128xf32, #tpu.memory_space<hbm>>) target(%dma_start3A_88 : memref<40x128xf32, #tpu.memory_space<vmem>>) target_semaphore(%dma_start3A_84 : memref<!tpu.dma_semaphore, #tpu.memory_space<semaphore_mem>>)
    %scan3A_91 = arith.constant 0 : i32
    %scan3A_92 = arith.constant 0 : i32
    %scan3A_93 = arith.constant 125 : i32
    %scan3A_94 = arith.addi %scan3A_92, %scan3A_93 : i32
    %scan3A_95 = arith.constant 1 : i32
    %scan3A_96 = scf.for %scan3A_148 = %scan3A_92 to %scan3A_94 step %scan3A_95 iter_args(%scan3A_149 = %scan3A_91) -> (i32)  : i32 {
      %jit3A_150 = arith.constant 3 : i32
      %eq3A_151 = arith.constant 0 : i32
      %eq3A_152 = arith.cmpi eq, %jit3A_150, %eq3A_151 : i32
      %jit3A_153 = arith.constant 1 : i32
      %select_n3A_154 = arith.select %eq3A_152, %jit3A_153, %jit3A_150 : i32
      %rem3A_155 = arith.remsi %scan3A_148, %select_n3A_154 : i32
      %ne3A_156 = arith.constant 0 : i32
      %ne3A_157 = arith.cmpi ne, %rem3A_155, %ne3A_156 : i32
      %lt3A_158 = arith.constant 0 : i32
      %lt3A_159 = arith.cmpi slt, %rem3A_155, %lt3A_158 : i32
      %lt3A_160 = arith.constant 0 : i32
      %lt3A_161 = arith.cmpi slt, %select_n3A_154, %lt3A_160 : i32
      %ne3A_162 = arith.xori %lt3A_159, %lt3A_161 : i1
      %and3A_163 = arith.andi %ne3A_162, %ne3A_157 : i1
      %add3A_164 = arith.addi %rem3A_155, %select_n3A_154 : i32
      %select_n3A_165 = arith.select %and3A_163, %add3A_164, %rem3A_155 : i32
      %ge3A = arith.constant 1 : i32
      %ge3A_166 = arith.cmpi sge, %scan3A_148, %ge3A : i32
      %convert_element_type3A = arith.extui %ge3A_166 : i1 to i32
      %cond3A = arith.constant 0 : i32
      %cond3A_167 = arith.cmpi ne, %convert_element_type3A, %cond3A : i32
      scf.if %cond3A_167 {
        %sub3A_508 = arith.constant 1 : i32
        %sub3A_509 = arith.subi %scan3A_148, %sub3A_508 : i32
        %add3A_510 = arith.constant 2 : i32
        %add3A_511 = arith.addi %scan3A_148, %add3A_510 : i32
        %jit3A_512 = arith.constant 3 : i32
        %eq3A_513 = arith.constant 0 : i32
        %eq3A_514 = arith.cmpi eq, %jit3A_512, %eq3A_513 : i32
        %jit3A_515 = arith.constant 1 : i32
        %select_n3A_516 = arith.select %eq3A_514, %jit3A_515, %jit3A_512 : i32
        %rem3A_517 = arith.remsi %add3A_511, %select_n3A_516 : i32
        %ne3A_518 = arith.constant 0 : i32
        %ne3A_519 = arith.cmpi ne, %rem3A_517, %ne3A_518 : i32
        %lt3A_520 = arith.constant 0 : i32
        %lt3A_521 = arith.cmpi slt, %rem3A_517, %lt3A_520 : i32
        %lt3A_522 = arith.constant 0 : i32
        %lt3A_523 = arith.cmpi slt, %select_n3A_516, %lt3A_522 : i32
        %ne3A_524 = arith.xori %lt3A_521, %lt3A_523 : i1
        %and3A_525 = arith.andi %ne3A_524, %ne3A_519 : i1
        %add3A_526 = arith.addi %rem3A_517, %select_n3A_516 : i32
        %select_n3A_527 = arith.select %and3A_525, %add3A_526, %rem3A_517 : i32
        %jit3A_528 = arith.constant 32 : i32
        %div3A_529 = arith.divsi %sub3A_509, %jit3A_528 : i32
        %sign3A_530 = arith.constant 0 : i32
        %sign3A_531 = arith.cmpi sgt, %sub3A_509, %sign3A_530 : i32
        %sign3A_532 = arith.extui %sign3A_531 : i1 to i32
        %sign3A_533 = arith.constant 0 : i32
        %sign3A_534 = arith.cmpi slt, %sub3A_509, %sign3A_533 : i32
        %sign3A_535 = arith.extui %sign3A_534 : i1 to i32
        %sign3A_536 = arith.subi %sign3A_532, %sign3A_535 : i32
        %sign3A_537 = arith.constant 0 : i32
        %sign3A_538 = arith.cmpi sgt, %jit3A_528, %sign3A_537 : i32
        %sign3A_539 = arith.extui %sign3A_538 : i1 to i32
        %sign3A_540 = arith.constant 0 : i32
        %sign3A_541 = arith.cmpi slt, %jit3A_528, %sign3A_540 : i32
        %sign3A_542 = arith.extui %sign3A_541 : i1 to i32
        %sign3A_543 = arith.subi %sign3A_539, %sign3A_542 : i32
        %ne3A_544 = arith.cmpi ne, %sign3A_536, %sign3A_543 : i32
        %rem3A_545 = arith.remsi %sub3A_509, %jit3A_528 : i32
        %ne3A_546 = arith.constant 0 : i32
        %ne3A_547 = arith.cmpi ne, %rem3A_545, %ne3A_546 : i32
        %and3A_548 = arith.andi %ne3A_544, %ne3A_547 : i1
        %sub3A_549 = arith.constant 1 : i32
        %sub3A_550 = arith.subi %div3A_529, %sub3A_549 : i32
        %select_n3A_551 = arith.select %and3A_548, %sub3A_550, %div3A_529 : i32
        %and3A_552 = arith.constant 1 : i32
        %and3A_553 = arith.andi %select_n3A_551, %and3A_552 : i32
        %jit3A_554 = arith.constant 32 : i32
        %eq3A_555 = arith.constant 0 : i32
        %eq3A_556 = arith.cmpi eq, %jit3A_554, %eq3A_555 : i32
        %jit3A_557 = arith.constant 1 : i32
        %select_n3A_558 = arith.select %eq3A_556, %jit3A_557, %jit3A_554 : i32
        %rem3A_559 = arith.remsi %sub3A_509, %select_n3A_558 : i32
        %ne3A_560 = arith.constant 0 : i32
        %ne3A_561 = arith.cmpi ne, %rem3A_559, %ne3A_560 : i32
        %lt3A_562 = arith.constant 0 : i32
        %lt3A_563 = arith.cmpi slt, %rem3A_559, %lt3A_562 : i32
        %lt3A_564 = arith.constant 0 : i32
        %lt3A_565 = arith.cmpi slt, %select_n3A_558, %lt3A_564 : i32
        %ne3A_566 = arith.xori %lt3A_563, %lt3A_565 : i1
        %and3A_567 = arith.andi %ne3A_566, %ne3A_561 : i1
        %add3A_568 = arith.addi %rem3A_559, %select_n3A_558 : i32
        %select_n3A_569 = arith.select %and3A_567, %add3A_568, %rem3A_559 : i32
        %dma_wait3A_570 = arith.constant 0 : i32
        %dma_wait3A_571 = arith.constant 0 : i32
        %dma_wait3A_572 = tpu.memref_slice %arg9[%select_n3A_527, %dma_wait3A_570, %dma_wait3A_571] : memref<3x80x128xf32, #tpu.memory_space<vmem>> -> memref<1x80x128xf32, #tpu.memory_space<vmem>>
        %dma_wait3A_573 = tpu.memref_squeeze %dma_wait3A_572 : memref<1x80x128xf32, #tpu.memory_space<vmem>> -> memref<80x128xf32, #tpu.memory_space<vmem>>
        %dma_wait3A_574 = arith.constant 0 : i32
        %dma_wait3A_575 = tpu.memref_slice %arg10[%and3A_553, %select_n3A_569, %dma_wait3A_574] : memref<2x32x80xi32, #tpu.memory_space<vmem>> -> memref<1x1x80xi32, #tpu.memory_space<vmem>>
        %dma_wait3A_576 = tpu.memref_squeeze %dma_wait3A_575 : memref<1x1x80xi32, #tpu.memory_space<vmem>> -> memref<80xi32, #tpu.memory_space<vmem>>
        %dma_wait3A_577 = arith.constant 0 : i32
        %dma_wait3A_578 = arith.constant 0 : i32
        %dma_wait3A_579 = tpu.memref_slice %arg8[%dma_wait3A_577, %dma_wait3A_578] : memref<10240x128xf32, #tpu.memory_space<vmem_shared>> -> memref<10240x128xf32, #tpu.memory_space<vmem_shared>>
        tpu.wait_indirect_dma semaphore(%arg14 : memref<!tpu.dma_semaphore, #tpu.memory_space<semaphore_mem>>) src(%dma_wait3A_573 : memref<80x128xf32, #tpu.memory_space<vmem>>) dst(%dma_wait3A_579 : memref<10240x128xf32, #tpu.memory_space<vmem_shared>>)
      } else {
      }
      %jit3A_168 = arith.constant 32 : i32
      %eq3A_169 = arith.constant 0 : i32
      %eq3A_170 = arith.cmpi eq, %jit3A_168, %eq3A_169 : i32
      %jit3A_171 = arith.constant 1 : i32
      %select_n3A_172 = arith.select %eq3A_170, %jit3A_171, %jit3A_168 : i32
      %rem3A_173 = arith.remsi %scan3A_148, %select_n3A_172 : i32
      %ne3A_174 = arith.constant 0 : i32
      %ne3A_175 = arith.cmpi ne, %rem3A_173, %ne3A_174 : i32
      %lt3A_176 = arith.constant 0 : i32
      %lt3A_177 = arith.cmpi slt, %rem3A_173, %lt3A_176 : i32
      %lt3A_178 = arith.constant 0 : i32
      %lt3A_179 = arith.cmpi slt, %select_n3A_172, %lt3A_178 : i32
      %ne3A_180 = arith.xori %lt3A_177, %lt3A_179 : i1
      %and3A_181 = arith.andi %ne3A_180, %ne3A_175 : i1
      %add3A_182 = arith.addi %rem3A_173, %select_n3A_172 : i32
      %select_n3A_183 = arith.select %and3A_181, %add3A_182, %rem3A_173 : i32
      %eq3A_184 = arith.constant 0 : i32
      %eq3A_185 = arith.cmpi eq, %select_n3A_183, %eq3A_184 : i32
      %convert_element_type3A_186 = arith.extui %eq3A_185 : i1 to i32
      %cond3A_187 = arith.constant 0 : i32
      %cond3A_188 = arith.cmpi ne, %convert_element_type3A_186, %cond3A_187 : i32
      scf.if %cond3A_188 {
        %jit3A_508 = arith.constant 32 : i32
        %div3A_509 = arith.divsi %scan3A_148, %jit3A_508 : i32
        %sign3A_510 = arith.constant 0 : i32
        %sign3A_511 = arith.cmpi sgt, %scan3A_148, %sign3A_510 : i32
        %sign3A_512 = arith.extui %sign3A_511 : i1 to i32
        %sign3A_513 = arith.constant 0 : i32
        %sign3A_514 = arith.cmpi slt, %scan3A_148, %sign3A_513 : i32
        %sign3A_515 = arith.extui %sign3A_514 : i1 to i32
        %sign3A_516 = arith.subi %sign3A_512, %sign3A_515 : i32
        %sign3A_517 = arith.constant 0 : i32
        %sign3A_518 = arith.cmpi sgt, %jit3A_508, %sign3A_517 : i32
        %sign3A_519 = arith.extui %sign3A_518 : i1 to i32
        %sign3A_520 = arith.constant 0 : i32
        %sign3A_521 = arith.cmpi slt, %jit3A_508, %sign3A_520 : i32
        %sign3A_522 = arith.extui %sign3A_521 : i1 to i32
        %sign3A_523 = arith.subi %sign3A_519, %sign3A_522 : i32
        %ne3A_524 = arith.cmpi ne, %sign3A_516, %sign3A_523 : i32
        %rem3A_525 = arith.remsi %scan3A_148, %jit3A_508 : i32
        %ne3A_526 = arith.constant 0 : i32
        %ne3A_527 = arith.cmpi ne, %rem3A_525, %ne3A_526 : i32
        %and3A_528 = arith.andi %ne3A_524, %ne3A_527 : i1
        %sub3A_529 = arith.constant 1 : i32
        %sub3A_530 = arith.subi %div3A_509, %sub3A_529 : i32
        %select_n3A_531 = arith.select %and3A_528, %sub3A_530, %div3A_509 : i32
        %ge3A_532 = arith.constant 1 : i32
        %ge3A_533 = arith.cmpi sge, %select_n3A_531, %ge3A_532 : i32
        %convert_element_type3A_534 = arith.extui %ge3A_533 : i1 to i32
        %cond3A_535 = arith.constant 0 : i32
        %cond3A_536 = arith.cmpi ne, %convert_element_type3A_534, %cond3A_535 : i32
        scf.if %cond3A_536 {
          %mul3A_546 = arith.constant 32 : i32
          %mul3A_547 = arith.muli %select_n3A_531, %mul3A_546 : i32
          %and3A_548 = arith.constant 1 : i32
          %and3A_549 = arith.andi %select_n3A_531, %and3A_548 : i32
          %dma_wait3A_550 = arith.constant 0 : i32
          %dma_wait3A_551 = arith.constant 0 : i32
          %dma_wait3A_552 = tpu.memref_slice %arg10[%and3A_549, %dma_wait3A_550, %dma_wait3A_551] : memref<2x32x80xi32, #tpu.memory_space<vmem>> -> memref<1x32x80xi32, #tpu.memory_space<vmem>>
          %dma_wait3A_553 = tpu.memref_squeeze %dma_wait3A_552 : memref<1x32x80xi32, #tpu.memory_space<vmem>> -> memref<32x80xi32, #tpu.memory_space<vmem>>
          %dma_wait3A_554 = arith.constant 0 : i32
          %dma_wait3A_555 = tpu.memref_slice %arg3[%add3A, %mul3A_547, %dma_wait3A_554] : memref<32x128x80xi32, #tpu.memory_space<hbm>> -> memref<1x32x80xi32, #tpu.memory_space<hbm>>
          %dma_wait3A_556 = tpu.memref_squeeze %dma_wait3A_555 : memref<1x32x80xi32, #tpu.memory_space<hbm>> -> memref<32x80xi32, #tpu.memory_space<hbm>>
          %dma_wait3A_557 = arith.constant 0 : i32
          %dma_wait3A_558 = arith.constant 0 : i32
          %dma_wait3A_559 = tpu.memref_slice %arg10[%and3A_549, %dma_wait3A_557, %dma_wait3A_558] : memref<2x32x80xi32, #tpu.memory_space<vmem>> -> memref<1x32x80xi32, #tpu.memory_space<vmem>>
          %dma_wait3A_560 = tpu.memref_squeeze %dma_wait3A_559 : memref<1x32x80xi32, #tpu.memory_space<vmem>> -> memref<32x80xi32, #tpu.memory_space<vmem>>
          %dma_wait3A_561 = arith.constant 0 : i32
          %dma_wait3A_562 = tpu.memref_slice %arg3[%add3A, %mul3A_547, %dma_wait3A_561] : memref<32x128x80xi32, #tpu.memory_space<hbm>> -> memref<1x32x80xi32, #tpu.memory_space<hbm>>
          %dma_wait3A_563 = tpu.memref_squeeze %dma_wait3A_562 : memref<1x32x80xi32, #tpu.memory_space<hbm>> -> memref<32x80xi32, #tpu.memory_space<hbm>>
          tpu.wait_dma2 semaphore(%arg13 : memref<!tpu.dma_semaphore, #tpu.memory_space<semaphore_mem>>) src(%dma_wait3A_563 : memref<32x80xi32, #tpu.memory_space<hbm>>) dst(%dma_wait3A_560 : memref<32x80xi32, #tpu.memory_space<vmem>>)
        } else {
        }
        %add3A_537 = arith.constant 1 : i32
        %add3A_538 = arith.addi %select_n3A_531, %add3A_537 : i32
        %mul3A_539 = arith.constant 32 : i32
        %mul3A_540 = arith.muli %add3A_538, %mul3A_539 : i32
        %lt3A_541 = arith.constant 128 : i32
        %lt3A_542 = arith.cmpi slt, %mul3A_540, %lt3A_541 : i32
        %convert_element_type3A_543 = arith.extui %lt3A_542 : i1 to i32
        %cond3A_544 = arith.constant 0 : i32
        %cond3A_545 = arith.cmpi ne, %convert_element_type3A_543, %cond3A_544 : i32
        scf.if %cond3A_545 {
          %add3A_546 = arith.constant 1 : i32
          %add3A_547 = arith.addi %select_n3A_531, %add3A_546 : i32
          %mul3A_548 = arith.constant 32 : i32
          %mul3A_549 = arith.muli %add3A_547, %mul3A_548 : i32
          %add3A_550 = arith.constant 1 : i32
          %add3A_551 = arith.addi %select_n3A_531, %add3A_550 : i32
          %and3A_552 = arith.constant 1 : i32
          %and3A_553 = arith.andi %add3A_551, %and3A_552 : i32
          %dma_start3A_554 = arith.constant 0 : i32
          %dma_start3A_555 = arith.constant 0 : i32
          %dma_start3A_556 = tpu.memref_slice %arg10[%and3A_553, %dma_start3A_554, %dma_start3A_555] : memref<2x32x80xi32, #tpu.memory_space<vmem>> -> memref<1x32x80xi32, #tpu.memory_space<vmem>>
          %dma_start3A_557 = tpu.memref_squeeze %dma_start3A_556 : memref<1x32x80xi32, #tpu.memory_space<vmem>> -> memref<32x80xi32, #tpu.memory_space<vmem>>
          %dma_start3A_558 = arith.constant 0 : i32
          %dma_start3A_559 = tpu.memref_slice %arg3[%add3A, %mul3A_549, %dma_start3A_558] : memref<32x128x80xi32, #tpu.memory_space<hbm>> -> memref<1x32x80xi32, #tpu.memory_space<hbm>>
          %dma_start3A_560 = tpu.memref_squeeze %dma_start3A_559 : memref<1x32x80xi32, #tpu.memory_space<hbm>> -> memref<32x80xi32, #tpu.memory_space<hbm>>
          %dma_start3A_561 = arith.constant 0 : i32
          %dma_start3A_562 = arith.constant 0 : i32
          %dma_start3A_563 = tpu.memref_slice %arg10[%and3A_553, %dma_start3A_561, %dma_start3A_562] : memref<2x32x80xi32, #tpu.memory_space<vmem>> -> memref<1x32x80xi32, #tpu.memory_space<vmem>>
          %dma_start3A_564 = tpu.memref_squeeze %dma_start3A_563 : memref<1x32x80xi32, #tpu.memory_space<vmem>> -> memref<32x80xi32, #tpu.memory_space<vmem>>
          %dma_start3A_565 = arith.constant 0 : i32
          %dma_start3A_566 = tpu.memref_slice %arg3[%add3A, %mul3A_549, %dma_start3A_565] : memref<32x128x80xi32, #tpu.memory_space<hbm>> -> memref<1x32x80xi32, #tpu.memory_space<hbm>>
          %dma_start3A_567 = tpu.memref_squeeze %dma_start3A_566 : memref<1x32x80xi32, #tpu.memory_space<hbm>> -> memref<32x80xi32, #tpu.memory_space<hbm>>
          tpu.enqueue_dma source(%dma_start3A_567 : memref<32x80xi32, #tpu.memory_space<hbm>>) target(%dma_start3A_564 : memref<32x80xi32, #tpu.memory_space<vmem>>) target_semaphore(%arg13 : memref<!tpu.dma_semaphore, #tpu.memory_space<semaphore_mem>>)
        } else {
        }
      } else {
      }
      %add3A_189 = arith.constant 2 : i32
      %add3A_190 = arith.addi %scan3A_148, %add3A_189 : i32
      %lt3A_191 = arith.constant 125 : i32
      %lt3A_192 = arith.cmpi slt, %add3A_190, %lt3A_191 : i32
      %convert_element_type3A_193 = arith.extui %lt3A_192 : i1 to i32
      %cond3A_194 = arith.constant 0 : i32
      %cond3A_195 = arith.cmpi ne, %convert_element_type3A_193, %cond3A_194 : i32
      scf.if %cond3A_195 {
        %add3A_508 = arith.constant 2 : i32
        %add3A_509 = arith.addi %scan3A_148, %add3A_508 : i32
        %add3A_510 = arith.constant 2 : i32
        %add3A_511 = arith.addi %scan3A_148, %add3A_510 : i32
        %jit3A_512 = arith.constant 3 : i32
        %eq3A_513 = arith.constant 0 : i32
        %eq3A_514 = arith.cmpi eq, %jit3A_512, %eq3A_513 : i32
        %jit3A_515 = arith.constant 1 : i32
        %select_n3A_516 = arith.select %eq3A_514, %jit3A_515, %jit3A_512 : i32
        %rem3A_517 = arith.remsi %add3A_511, %select_n3A_516 : i32
        %ne3A_518 = arith.constant 0 : i32
        %ne3A_519 = arith.cmpi ne, %rem3A_517, %ne3A_518 : i32
        %lt3A_520 = arith.constant 0 : i32
        %lt3A_521 = arith.cmpi slt, %rem3A_517, %lt3A_520 : i32
        %lt3A_522 = arith.constant 0 : i32
        %lt3A_523 = arith.cmpi slt, %select_n3A_516, %lt3A_522 : i32
        %ne3A_524 = arith.xori %lt3A_521, %lt3A_523 : i1
        %and3A_525 = arith.andi %ne3A_524, %ne3A_519 : i1
        %add3A_526 = arith.addi %rem3A_517, %select_n3A_516 : i32
        %select_n3A_527 = arith.select %and3A_525, %add3A_526, %rem3A_517 : i32
        %mul3A_528 = arith.constant 80 : i32
        %mul3A_529 = arith.muli %add3A_509, %mul3A_528 : i32
        %add3A_530 = arith.addi %mul3A_18, %mul3A_529 : i32
        %dma_start3A_531 = arith.constant 0 : i32
        %dma_start3A_532 = arith.constant 0 : i32
        %dma_start3A_533 = tpu.memref_slice %arg9[%select_n3A_527, %dma_start3A_531, %dma_start3A_532] : memref<3x80x128xf32, #tpu.memory_space<vmem>> -> memref<1x40x128xf32, #tpu.memory_space<vmem>>
        %dma_start3A_534 = tpu.memref_squeeze %dma_start3A_533 : memref<1x40x128xf32, #tpu.memory_space<vmem>> -> memref<40x128xf32, #tpu.memory_space<vmem>>
        %dma_start3A_535 = arith.constant 0 : i32
        %dma_start3A_536 = tpu.memref_slice %arg2[%add3A_530, %dma_start3A_535] : memref<320000x128xf32, #tpu.memory_space<hbm>> -> memref<40x128xf32, #tpu.memory_space<hbm>>
        %dma_start3A_537 = tpu.memref_slice %arg12[%select_n3A_527] : memref<3x!tpu.dma_semaphore, #tpu.memory_space<semaphore_mem>> -> memref<1x!tpu.dma_semaphore, #tpu.memory_space<semaphore_mem>>
        %dma_start3A_538 = tpu.memref_squeeze %dma_start3A_537 : memref<1x!tpu.dma_semaphore, #tpu.memory_space<semaphore_mem>> -> memref<!tpu.dma_semaphore, #tpu.memory_space<semaphore_mem>>
        %dma_start3A_539 = arith.constant 0 : i32
        %dma_start3A_540 = arith.constant 0 : i32
        %dma_start3A_541 = tpu.memref_slice %arg9[%select_n3A_527, %dma_start3A_539, %dma_start3A_540] : memref<3x80x128xf32, #tpu.memory_space<vmem>> -> memref<1x40x128xf32, #tpu.memory_space<vmem>>
        %dma_start3A_542 = tpu.memref_squeeze %dma_start3A_541 : memref<1x40x128xf32, #tpu.memory_space<vmem>> -> memref<40x128xf32, #tpu.memory_space<vmem>>
        %dma_start3A_543 = arith.constant 0 : i32
        %dma_start3A_544 = tpu.memref_slice %arg2[%add3A_530, %dma_start3A_543] : memref<320000x128xf32, #tpu.memory_space<hbm>> -> memref<40x128xf32, #tpu.memory_space<hbm>>
        tpu.enqueue_dma source(%dma_start3A_544 : memref<40x128xf32, #tpu.memory_space<hbm>>) target(%dma_start3A_542 : memref<40x128xf32, #tpu.memory_space<vmem>>) target_semaphore(%dma_start3A_538 : memref<!tpu.dma_semaphore, #tpu.memory_space<semaphore_mem>>)
        %add3A_545 = arith.constant 40 : i32
        %add3A_546 = arith.addi %add3A_530, %add3A_545 : i32
        %dma_start3A_547 = arith.constant 40 : i32
        %dma_start3A_548 = arith.constant 0 : i32
        %dma_start3A_549 = tpu.memref_slice %arg9[%select_n3A_527, %dma_start3A_547, %dma_start3A_548] : memref<3x80x128xf32, #tpu.memory_space<vmem>> -> memref<1x40x128xf32, #tpu.memory_space<vmem>>
        %dma_start3A_550 = tpu.memref_squeeze %dma_start3A_549 : memref<1x40x128xf32, #tpu.memory_space<vmem>> -> memref<40x128xf32, #tpu.memory_space<vmem>>
        %dma_start3A_551 = arith.constant 0 : i32
        %dma_start3A_552 = tpu.memref_slice %arg2[%add3A_546, %dma_start3A_551] : memref<320000x128xf32, #tpu.memory_space<hbm>> -> memref<40x128xf32, #tpu.memory_space<hbm>>
        %dma_start3A_553 = tpu.memref_slice %arg12[%select_n3A_527] : memref<3x!tpu.dma_semaphore, #tpu.memory_space<semaphore_mem>> -> memref<1x!tpu.dma_semaphore, #tpu.memory_space<semaphore_mem>>
        %dma_start3A_554 = tpu.memref_squeeze %dma_start3A_553 : memref<1x!tpu.dma_semaphore, #tpu.memory_space<semaphore_mem>> -> memref<!tpu.dma_semaphore, #tpu.memory_space<semaphore_mem>>
        %dma_start3A_555 = arith.constant 40 : i32
        %dma_start3A_556 = arith.constant 0 : i32
        %dma_start3A_557 = tpu.memref_slice %arg9[%select_n3A_527, %dma_start3A_555, %dma_start3A_556] : memref<3x80x128xf32, #tpu.memory_space<vmem>> -> memref<1x40x128xf32, #tpu.memory_space<vmem>>
        %dma_start3A_558 = tpu.memref_squeeze %dma_start3A_557 : memref<1x40x128xf32, #tpu.memory_space<vmem>> -> memref<40x128xf32, #tpu.memory_space<vmem>>
        %dma_start3A_559 = arith.constant 0 : i32
        %dma_start3A_560 = tpu.memref_slice %arg2[%add3A_546, %dma_start3A_559] : memref<320000x128xf32, #tpu.memory_space<hbm>> -> memref<40x128xf32, #tpu.memory_space<hbm>>
        tpu.enqueue_dma source(%dma_start3A_560 : memref<40x128xf32, #tpu.memory_space<hbm>>) target(%dma_start3A_558 : memref<40x128xf32, #tpu.memory_space<vmem>>) target_semaphore(%dma_start3A_554 : memref<!tpu.dma_semaphore, #tpu.memory_space<semaphore_mem>>)
      } else {
      }
      %mul3A_196 = arith.constant 80 : i32
      %mul3A_197 = arith.muli %scan3A_148, %mul3A_196 : i32
      %add3A_198 = arith.addi %mul3A_18, %mul3A_197 : i32
      %dma_wait3A_199 = arith.constant 0 : i32
      %dma_wait3A_200 = arith.constant 0 : i32
      %dma_wait3A_201 = tpu.memref_slice %arg9[%select_n3A_165, %dma_wait3A_199, %dma_wait3A_200] : memref<3x80x128xf32, #tpu.memory_space<vmem>> -> memref<1x40x128xf32, #tpu.memory_space<vmem>>
      %dma_wait3A_202 = tpu.memref_squeeze %dma_wait3A_201 : memref<1x40x128xf32, #tpu.memory_space<vmem>> -> memref<40x128xf32, #tpu.memory_space<vmem>>
      %dma_wait3A_203 = arith.constant 0 : i32
      %dma_wait3A_204 = tpu.memref_slice %arg2[%add3A_198, %dma_wait3A_203] : memref<320000x128xf32, #tpu.memory_space<hbm>> -> memref<40x128xf32, #tpu.memory_space<hbm>>
      %dma_wait3A_205 = tpu.memref_slice %arg12[%select_n3A_165] : memref<3x!tpu.dma_semaphore, #tpu.memory_space<semaphore_mem>> -> memref<1x!tpu.dma_semaphore, #tpu.memory_space<semaphore_mem>>
      %dma_wait3A_206 = tpu.memref_squeeze %dma_wait3A_205 : memref<1x!tpu.dma_semaphore, #tpu.memory_space<semaphore_mem>> -> memref<!tpu.dma_semaphore, #tpu.memory_space<semaphore_mem>>
      %dma_wait3A_207 = arith.constant 0 : i32
      %dma_wait3A_208 = arith.constant 0 : i32
      %dma_wait3A_209 = tpu.memref_slice %arg9[%select_n3A_165, %dma_wait3A_207, %dma_wait3A_208] : memref<3x80x128xf32, #tpu.memory_space<vmem>> -> memref<1x40x128xf32, #tpu.memory_space<vmem>>
      %dma_wait3A_210 = tpu.memref_squeeze %dma_wait3A_209 : memref<1x40x128xf32, #tpu.memory_space<vmem>> -> memref<40x128xf32, #tpu.memory_space<vmem>>
      %dma_wait3A_211 = arith.constant 0 : i32
      %dma_wait3A_212 = tpu.memref_slice %arg2[%add3A_198, %dma_wait3A_211] : memref<320000x128xf32, #tpu.memory_space<hbm>> -> memref<40x128xf32, #tpu.memory_space<hbm>>
      tpu.wait_dma2 semaphore(%dma_wait3A_206 : memref<!tpu.dma_semaphore, #tpu.memory_space<semaphore_mem>>) src(%dma_wait3A_212 : memref<40x128xf32, #tpu.memory_space<hbm>>) dst(%dma_wait3A_210 : memref<40x128xf32, #tpu.memory_space<vmem>>)
      %add3A_213 = arith.constant 40 : i32
      %add3A_214 = arith.addi %add3A_198, %add3A_213 : i32
      %dma_wait3A_215 = arith.constant 40 : i32
      %dma_wait3A_216 = arith.constant 0 : i32
      %dma_wait3A_217 = tpu.memref_slice %arg9[%select_n3A_165, %dma_wait3A_215, %dma_wait3A_216] : memref<3x80x128xf32, #tpu.memory_space<vmem>> -> memref<1x40x128xf32, #tpu.memory_space<vmem>>
      %dma_wait3A_218 = tpu.memref_squeeze %dma_wait3A_217 : memref<1x40x128xf32, #tpu.memory_space<vmem>> -> memref<40x128xf32, #tpu.memory_space<vmem>>
      %dma_wait3A_219 = arith.constant 0 : i32
      %dma_wait3A_220 = tpu.memref_slice %arg2[%add3A_214, %dma_wait3A_219] : memref<320000x128xf32, #tpu.memory_space<hbm>> -> memref<40x128xf32, #tpu.memory_space<hbm>>
      %dma_wait3A_221 = tpu.memref_slice %arg12[%select_n3A_165] : memref<3x!tpu.dma_semaphore, #tpu.memory_space<semaphore_mem>> -> memref<1x!tpu.dma_semaphore, #tpu.memory_space<semaphore_mem>>
      %dma_wait3A_222 = tpu.memref_squeeze %dma_wait3A_221 : memref<1x!tpu.dma_semaphore, #tpu.memory_space<semaphore_mem>> -> memref<!tpu.dma_semaphore, #tpu.memory_space<semaphore_mem>>
      %dma_wait3A_223 = arith.constant 40 : i32
      %dma_wait3A_224 = arith.constant 0 : i32
      %dma_wait3A_225 = tpu.memref_slice %arg9[%select_n3A_165, %dma_wait3A_223, %dma_wait3A_224] : memref<3x80x128xf32, #tpu.memory_space<vmem>> -> memref<1x40x128xf32, #tpu.memory_space<vmem>>
      %dma_wait3A_226 = tpu.memref_squeeze %dma_wait3A_225 : memref<1x40x128xf32, #tpu.memory_space<vmem>> -> memref<40x128xf32, #tpu.memory_space<vmem>>
      %dma_wait3A_227 = arith.constant 0 : i32
      %dma_wait3A_228 = tpu.memref_slice %arg2[%add3A_214, %dma_wait3A_227] : memref<320000x128xf32, #tpu.memory_space<hbm>> -> memref<40x128xf32, #tpu.memory_space<hbm>>
      tpu.wait_dma2 semaphore(%dma_wait3A_222 : memref<!tpu.dma_semaphore, #tpu.memory_space<semaphore_mem>>) src(%dma_wait3A_228 : memref<40x128xf32, #tpu.memory_space<hbm>>) dst(%dma_wait3A_226 : memref<40x128xf32, #tpu.memory_space<vmem>>)
      %jit3A_229 = arith.constant 32 : i32
      %div3A = arith.divsi %scan3A_148, %jit3A_229 : i32
      %sign3A = arith.constant 0 : i32
      %sign3A_230 = arith.cmpi sgt, %scan3A_148, %sign3A : i32
      %sign3A_231 = arith.extui %sign3A_230 : i1 to i32
      %sign3A_232 = arith.constant 0 : i32
      %sign3A_233 = arith.cmpi slt, %scan3A_148, %sign3A_232 : i32
      %sign3A_234 = arith.extui %sign3A_233 : i1 to i32
      %sign3A_235 = arith.subi %sign3A_231, %sign3A_234 : i32
      %sign3A_236 = arith.constant 0 : i32
      %sign3A_237 = arith.cmpi sgt, %jit3A_229, %sign3A_236 : i32
      %sign3A_238 = arith.extui %sign3A_237 : i1 to i32
      %sign3A_239 = arith.constant 0 : i32
      %sign3A_240 = arith.cmpi slt, %jit3A_229, %sign3A_239 : i32
      %sign3A_241 = arith.extui %sign3A_240 : i1 to i32
      %sign3A_242 = arith.subi %sign3A_238, %sign3A_241 : i32
      %ne3A_243 = arith.cmpi ne, %sign3A_235, %sign3A_242 : i32
      %rem3A_244 = arith.remsi %scan3A_148, %jit3A_229 : i32
      %ne3A_245 = arith.constant 0 : i32
      %ne3A_246 = arith.cmpi ne, %rem3A_244, %ne3A_245 : i32
      %and3A_247 = arith.andi %ne3A_243, %ne3A_246 : i1
      %sub3A = arith.constant 1 : i32
      %sub3A_248 = arith.subi %div3A, %sub3A : i32
      %select_n3A_249 = arith.select %and3A_247, %sub3A_248, %div3A : i32
      %and3A_250 = arith.constant 1 : i32
      %and3A_251 = arith.andi %select_n3A_249, %and3A_250 : i32
      %jit3A_252 = arith.constant 32 : i32
      %eq3A_253 = arith.constant 0 : i32
      %eq3A_254 = arith.cmpi eq, %jit3A_252, %eq3A_253 : i32
      %jit3A_255 = arith.constant 1 : i32
      %select_n3A_256 = arith.select %eq3A_254, %jit3A_255, %jit3A_252 : i32
      %rem3A_257 = arith.remsi %scan3A_148, %select_n3A_256 : i32
      %ne3A_258 = arith.constant 0 : i32
      %ne3A_259 = arith.cmpi ne, %rem3A_257, %ne3A_258 : i32
      %lt3A_260 = arith.constant 0 : i32
      %lt3A_261 = arith.cmpi slt, %rem3A_257, %lt3A_260 : i32
      %lt3A_262 = arith.constant 0 : i32
      %lt3A_263 = arith.cmpi slt, %select_n3A_256, %lt3A_262 : i32
      %ne3A_264 = arith.xori %lt3A_261, %lt3A_263 : i1
      %and3A_265 = arith.andi %ne3A_264, %ne3A_259 : i1
      %add3A_266 = arith.addi %rem3A_257, %select_n3A_256 : i32
      %select_n3A_267 = arith.select %and3A_265, %add3A_266, %rem3A_257 : i32
      %dma_start3A_268 = arith.constant 0 : i32
      %dma_start3A_269 = arith.constant 0 : i32
      %dma_start3A_270 = tpu.memref_slice %arg9[%select_n3A_165, %dma_start3A_268, %dma_start3A_269] : memref<3x80x128xf32, #tpu.memory_space<vmem>> -> memref<1x80x128xf32, #tpu.memory_space<vmem>>
      %dma_start3A_271 = tpu.memref_squeeze %dma_start3A_270 : memref<1x80x128xf32, #tpu.memory_space<vmem>> -> memref<80x128xf32, #tpu.memory_space<vmem>>
      %dma_start3A_272 = arith.constant 0 : i32
      %dma_start3A_273 = tpu.memref_slice %arg10[%and3A_251, %select_n3A_267, %dma_start3A_272] : memref<2x32x80xi32, #tpu.memory_space<vmem>> -> memref<1x1x80xi32, #tpu.memory_space<vmem>>
      %dma_start3A_274 = tpu.memref_squeeze %dma_start3A_273 : memref<1x1x80xi32, #tpu.memory_space<vmem>> -> memref<80xi32, #tpu.memory_space<vmem>>
      %dma_start3A_275 = arith.constant 0 : i32
      %dma_start3A_276 = arith.constant 0 : i32
      %dma_start3A_277 = tpu.memref_slice %arg8[%dma_start3A_275, %dma_start3A_276] : memref<10240x128xf32, #tpu.memory_space<vmem_shared>> -> memref<10240x128xf32, #tpu.memory_space<vmem_shared>>
      tpu.enqueue_indirect_dma source(%dma_start3A_271 : memref<80x128xf32, #tpu.memory_space<vmem>>) target(%dma_start3A_277 : memref<10240x128xf32, #tpu.memory_space<vmem_shared>>) offsets(%dma_start3A_274 : memref<80xi32, #tpu.memory_space<vmem>>) semaphore(%arg14 : memref<!tpu.dma_semaphore, #tpu.memory_space<semaphore_mem>>) {add = true}
      %jit3A_278 = arith.constant 32 : i32
      %div3A_279 = arith.divsi %scan3A_148, %jit3A_278 : i32
      %sign3A_280 = arith.constant 0 : i32
      %sign3A_281 = arith.cmpi sgt, %scan3A_148, %sign3A_280 : i32
      %sign3A_282 = arith.extui %sign3A_281 : i1 to i32
      %sign3A_283 = arith.constant 0 : i32
      %sign3A_284 = arith.cmpi slt, %scan3A_148, %sign3A_283 : i32
      %sign3A_285 = arith.extui %sign3A_284 : i1 to i32
      %sign3A_286 = arith.subi %sign3A_282, %sign3A_285 : i32
      %sign3A_287 = arith.constant 0 : i32
      %sign3A_288 = arith.cmpi sgt, %jit3A_278, %sign3A_287 : i32
      %sign3A_289 = arith.extui %sign3A_288 : i1 to i32
      %sign3A_290 = arith.constant 0 : i32
      %sign3A_291 = arith.cmpi slt, %jit3A_278, %sign3A_290 : i32
      %sign3A_292 = arith.extui %sign3A_291 : i1 to i32
      %sign3A_293 = arith.subi %sign3A_289, %sign3A_292 : i32
      %ne3A_294 = arith.cmpi ne, %sign3A_286, %sign3A_293 : i32
      %rem3A_295 = arith.remsi %scan3A_148, %jit3A_278 : i32
      %ne3A_296 = arith.constant 0 : i32
      %ne3A_297 = arith.cmpi ne, %rem3A_295, %ne3A_296 : i32
      %and3A_298 = arith.andi %ne3A_294, %ne3A_297 : i1
      %sub3A_299 = arith.constant 1 : i32
      %sub3A_300 = arith.subi %div3A_279, %sub3A_299 : i32
      %select_n3A_301 = arith.select %and3A_298, %sub3A_300, %div3A_279 : i32
      %and3A_302 = arith.constant 1 : i32
      %and3A_303 = arith.andi %select_n3A_301, %and3A_302 : i32
      %jit3A_304 = arith.constant 32 : i32
      %eq3A_305 = arith.constant 0 : i32
      %eq3A_306 = arith.cmpi eq, %jit3A_304, %eq3A_305 : i32
      %jit3A_307 = arith.constant 1 : i32
      %select_n3A_308 = arith.select %eq3A_306, %jit3A_307, %jit3A_304 : i32
      %rem3A_309 = arith.remsi %scan3A_148, %select_n3A_308 : i32
      %ne3A_310 = arith.constant 0 : i32
      %ne3A_311 = arith.cmpi ne, %rem3A_309, %ne3A_310 : i32
      %lt3A_312 = arith.constant 0 : i32
      %lt3A_313 = arith.cmpi slt, %rem3A_309, %lt3A_312 : i32
      %lt3A_314 = arith.constant 0 : i32
      %lt3A_315 = arith.cmpi slt, %select_n3A_308, %lt3A_314 : i32
      %ne3A_316 = arith.xori %lt3A_313, %lt3A_315 : i1
      %and3A_317 = arith.andi %ne3A_316, %ne3A_311 : i1
      %add3A_318 = arith.addi %rem3A_309, %select_n3A_308 : i32
      %select_n3A_319 = arith.select %and3A_317, %add3A_318, %rem3A_309 : i32
      %get3A = arith.index_cast %and3A_303 : i32 to index
      %get3A_320 = arith.index_cast %select_n3A_319 : i32 to index
      %get3A_321 = arith.constant 0 : index
      %get3A_322 = tpu.vector_load %arg10[%get3A, %get3A_320, %get3A_321] {strides = array<i32>} : memref<2x32x80xi32, #tpu.memory_space<vmem>>, vector<16xi32>,
      tpu.vector_store_idx %arg11[%get3A_322], %broadcast_in_dim3A_19 {add = true} : memref<10112xf32, #tpu.memory_space<vmem>>[vector<16xi32>], vector<16xf32>,
      %jit3A_323 = arith.constant 32 : i32
      %div3A_324 = arith.divsi %scan3A_148, %jit3A_323 : i32
      %sign3A_325 = arith.constant 0 : i32
      %sign3A_326 = arith.cmpi sgt, %scan3A_148, %sign3A_325 : i32
      %sign3A_327 = arith.extui %sign3A_326 : i1 to i32
      %sign3A_328 = arith.constant 0 : i32
      %sign3A_329 = arith.cmpi slt, %scan3A_148, %sign3A_328 : i32
      %sign3A_330 = arith.extui %sign3A_329 : i1 to i32
      %sign3A_331 = arith.subi %sign3A_327, %sign3A_330 : i32
      %sign3A_332 = arith.constant 0 : i32
      %sign3A_333 = arith.cmpi sgt, %jit3A_323, %sign3A_332 : i32
      %sign3A_334 = arith.extui %sign3A_333 : i1 to i32
      %sign3A_335 = arith.constant 0 : i32
      %sign3A_336 = arith.cmpi slt, %jit3A_323, %sign3A_335 : i32
      %sign3A_337 = arith.extui %sign3A_336 : i1 to i32
      %sign3A_338 = arith.subi %sign3A_334, %sign3A_337 : i32
      %ne3A_339 = arith.cmpi ne, %sign3A_331, %sign3A_338 : i32
      %rem3A_340 = arith.remsi %scan3A_148, %jit3A_323 : i32
      %ne3A_341 = arith.constant 0 : i32
      %ne3A_342 = arith.cmpi ne, %rem3A_340, %ne3A_341 : i32
      %and3A_343 = arith.andi %ne3A_339, %ne3A_342 : i1
      %sub3A_344 = arith.constant 1 : i32
      %sub3A_345 = arith.subi %div3A_324, %sub3A_344 : i32
      %select_n3A_346 = arith.select %and3A_343, %sub3A_345, %div3A_324 : i32
      %and3A_347 = arith.constant 1 : i32
      %and3A_348 = arith.andi %select_n3A_346, %and3A_347 : i32
      %jit3A_349 = arith.constant 32 : i32
      %eq3A_350 = arith.constant 0 : i32
      %eq3A_351 = arith.cmpi eq, %jit3A_349, %eq3A_350 : i32
      %jit3A_352 = arith.constant 1 : i32
      %select_n3A_353 = arith.select %eq3A_351, %jit3A_352, %jit3A_349 : i32
      %rem3A_354 = arith.remsi %scan3A_148, %select_n3A_353 : i32
      %ne3A_355 = arith.constant 0 : i32
      %ne3A_356 = arith.cmpi ne, %rem3A_354, %ne3A_355 : i32
      %lt3A_357 = arith.constant 0 : i32
      %lt3A_358 = arith.cmpi slt, %rem3A_354, %lt3A_357 : i32
      %lt3A_359 = arith.constant 0 : i32
      %lt3A_360 = arith.cmpi slt, %select_n3A_353, %lt3A_359 : i32
      %ne3A_361 = arith.xori %lt3A_358, %lt3A_360 : i1
      %and3A_362 = arith.andi %ne3A_361, %ne3A_356 : i1
      %add3A_363 = arith.addi %rem3A_354, %select_n3A_353 : i32
      %select_n3A_364 = arith.select %and3A_362, %add3A_363, %rem3A_354 : i32
      %get3A_365 = arith.index_cast %and3A_348 : i32 to index
      %get3A_366 = arith.index_cast %select_n3A_364 : i32 to index
      %get3A_367 = arith.constant 16 : index
      %get3A_368 = tpu.vector_load %arg10[%get3A_365, %get3A_366, %get3A_367] {strides = array<i32>} : memref<2x32x80xi32, #tpu.memory_space<vmem>>, vector<16xi32>,
      tpu.vector_store_idx %arg11[%get3A_368], %broadcast_in_dim3A_19 {add = true} : memref<10112xf32, #tpu.memory_space<vmem>>[vector<16xi32>], vector<16xf32>,
      %jit3A_369 = arith.constant 32 : i32
      %div3A_370 = arith.divsi %scan3A_148, %jit3A_369 : i32
      %sign3A_371 = arith.constant 0 : i32
      %sign3A_372 = arith.cmpi sgt, %scan3A_148, %sign3A_371 : i32
      %sign3A_373 = arith.extui %sign3A_372 : i1 to i32
      %sign3A_374 = arith.constant 0 : i32
      %sign3A_375 = arith.cmpi slt, %scan3A_148, %sign3A_374 : i32
      %sign3A_376 = arith.extui %sign3A_375 : i1 to i32
      %sign3A_377 = arith.subi %sign3A_373, %sign3A_376 : i32
      %sign3A_378 = arith.constant 0 : i32
      %sign3A_379 = arith.cmpi sgt, %jit3A_369, %sign3A_378 : i32
      %sign3A_380 = arith.extui %sign3A_379 : i1 to i32
      %sign3A_381 = arith.constant 0 : i32
      %sign3A_382 = arith.cmpi slt, %jit3A_369, %sign3A_381 : i32
      %sign3A_383 = arith.extui %sign3A_382 : i1 to i32
      %sign3A_384 = arith.subi %sign3A_380, %sign3A_383 : i32
      %ne3A_385 = arith.cmpi ne, %sign3A_377, %sign3A_384 : i32
      %rem3A_386 = arith.remsi %scan3A_148, %jit3A_369 : i32
      %ne3A_387 = arith.constant 0 : i32
      %ne3A_388 = arith.cmpi ne, %rem3A_386, %ne3A_387 : i32
      %and3A_389 = arith.andi %ne3A_385, %ne3A_388 : i1
      %sub3A_390 = arith.constant 1 : i32
      %sub3A_391 = arith.subi %div3A_370, %sub3A_390 : i32
      %select_n3A_392 = arith.select %and3A_389, %sub3A_391, %div3A_370 : i32
      %and3A_393 = arith.constant 1 : i32
      %and3A_394 = arith.andi %select_n3A_392, %and3A_393 : i32
      %jit3A_395 = arith.constant 32 : i32
      %eq3A_396 = arith.constant 0 : i32
      %eq3A_397 = arith.cmpi eq, %jit3A_395, %eq3A_396 : i32
      %jit3A_398 = arith.constant 1 : i32
      %select_n3A_399 = arith.select %eq3A_397, %jit3A_398, %jit3A_395 : i32
      %rem3A_400 = arith.remsi %scan3A_148, %select_n3A_399 : i32
      %ne3A_401 = arith.constant 0 : i32
      %ne3A_402 = arith.cmpi ne, %rem3A_400, %ne3A_401 : i32
      %lt3A_403 = arith.constant 0 : i32
      %lt3A_404 = arith.cmpi slt, %rem3A_400, %lt3A_403 : i32
      %lt3A_405 = arith.constant 0 : i32
      %lt3A_406 = arith.cmpi slt, %select_n3A_399, %lt3A_405 : i32
      %ne3A_407 = arith.xori %lt3A_404, %lt3A_406 : i1
      %and3A_408 = arith.andi %ne3A_407, %ne3A_402 : i1
      %add3A_409 = arith.addi %rem3A_400, %select_n3A_399 : i32
      %select_n3A_410 = arith.select %and3A_408, %add3A_409, %rem3A_400 : i32
      %get3A_411 = arith.index_cast %and3A_394 : i32 to index
      %get3A_412 = arith.index_cast %select_n3A_410 : i32 to index
      %get3A_413 = arith.constant 32 : index
      %get3A_414 = tpu.vector_load %arg10[%get3A_411, %get3A_412, %get3A_413] {strides = array<i32>} : memref<2x32x80xi32, #tpu.memory_space<vmem>>, vector<16xi32>,
      tpu.vector_store_idx %arg11[%get3A_414], %broadcast_in_dim3A_19 {add = true} : memref<10112xf32, #tpu.memory_space<vmem>>[vector<16xi32>], vector<16xf32>,
      %jit3A_415 = arith.constant 32 : i32
      %div3A_416 = arith.divsi %scan3A_148, %jit3A_415 : i32
      %sign3A_417 = arith.constant 0 : i32
      %sign3A_418 = arith.cmpi sgt, %scan3A_148, %sign3A_417 : i32
      %sign3A_419 = arith.extui %sign3A_418 : i1 to i32
      %sign3A_420 = arith.constant 0 : i32
      %sign3A_421 = arith.cmpi slt, %scan3A_148, %sign3A_420 : i32
      %sign3A_422 = arith.extui %sign3A_421 : i1 to i32
      %sign3A_423 = arith.subi %sign3A_419, %sign3A_422 : i32
      %sign3A_424 = arith.constant 0 : i32
      %sign3A_425 = arith.cmpi sgt, %jit3A_415, %sign3A_424 : i32
      %sign3A_426 = arith.extui %sign3A_425 : i1 to i32
      %sign3A_427 = arith.constant 0 : i32
      %sign3A_428 = arith.cmpi slt, %jit3A_415, %sign3A_427 : i32
      %sign3A_429 = arith.extui %sign3A_428 : i1 to i32
      %sign3A_430 = arith.subi %sign3A_426, %sign3A_429 : i32
      %ne3A_431 = arith.cmpi ne, %sign3A_423, %sign3A_430 : i32
      %rem3A_432 = arith.remsi %scan3A_148, %jit3A_415 : i32
      %ne3A_433 = arith.constant 0 : i32
      %ne3A_434 = arith.cmpi ne, %rem3A_432, %ne3A_433 : i32
      %and3A_435 = arith.andi %ne3A_431, %ne3A_434 : i1
      %sub3A_436 = arith.constant 1 : i32
      %sub3A_437 = arith.subi %div3A_416, %sub3A_436 : i32
      %select_n3A_438 = arith.select %and3A_435, %sub3A_437, %div3A_416 : i32
      %and3A_439 = arith.constant 1 : i32
      %and3A_440 = arith.andi %select_n3A_438, %and3A_439 : i32
      %jit3A_441 = arith.constant 32 : i32
      %eq3A_442 = arith.constant 0 : i32
      %eq3A_443 = arith.cmpi eq, %jit3A_441, %eq3A_442 : i32
      %jit3A_444 = arith.constant 1 : i32
      %select_n3A_445 = arith.select %eq3A_443, %jit3A_444, %jit3A_441 : i32
      %rem3A_446 = arith.remsi %scan3A_148, %select_n3A_445 : i32
      %ne3A_447 = arith.constant 0 : i32
      %ne3A_448 = arith.cmpi ne, %rem3A_446, %ne3A_447 : i32
      %lt3A_449 = arith.constant 0 : i32
      %lt3A_450 = arith.cmpi slt, %rem3A_446, %lt3A_449 : i32
      %lt3A_451 = arith.constant 0 : i32
      %lt3A_452 = arith.cmpi slt, %select_n3A_445, %lt3A_451 : i32
      %ne3A_453 = arith.xori %lt3A_450, %lt3A_452 : i1
      %and3A_454 = arith.andi %ne3A_453, %ne3A_448 : i1
      %add3A_455 = arith.addi %rem3A_446, %select_n3A_445 : i32
      %select_n3A_456 = arith.select %and3A_454, %add3A_455, %rem3A_446 : i32
      %get3A_457 = arith.index_cast %and3A_440 : i32 to index
      %get3A_458 = arith.index_cast %select_n3A_456 : i32 to index
      %get3A_459 = arith.constant 48 : index
      %get3A_460 = tpu.vector_load %arg10[%get3A_457, %get3A_458, %get3A_459] {strides = array<i32>} : memref<2x32x80xi32, #tpu.memory_space<vmem>>, vector<16xi32>,
      tpu.vector_store_idx %arg11[%get3A_460], %broadcast_in_dim3A_19 {add = true} : memref<10112xf32, #tpu.memory_space<vmem>>[vector<16xi32>], vector<16xf32>,
      %jit3A_461 = arith.constant 32 : i32
      %div3A_462 = arith.divsi %scan3A_148, %jit3A_461 : i32
      %sign3A_463 = arith.constant 0 : i32
      %sign3A_464 = arith.cmpi sgt, %scan3A_148, %sign3A_463 : i32
      %sign3A_465 = arith.extui %sign3A_464 : i1 to i32
      %sign3A_466 = arith.constant 0 : i32
      %sign3A_467 = arith.cmpi slt, %scan3A_148, %sign3A_466 : i32
      %sign3A_468 = arith.extui %sign3A_467 : i1 to i32
      %sign3A_469 = arith.subi %sign3A_465, %sign3A_468 : i32
      %sign3A_470 = arith.constant 0 : i32
      %sign3A_471 = arith.cmpi sgt, %jit3A_461, %sign3A_470 : i32
      %sign3A_472 = arith.extui %sign3A_471 : i1 to i32
      %sign3A_473 = arith.constant 0 : i32
      %sign3A_474 = arith.cmpi slt, %jit3A_461, %sign3A_473 : i32
      %sign3A_475 = arith.extui %sign3A_474 : i1 to i32
      %sign3A_476 = arith.subi %sign3A_472, %sign3A_475 : i32
      %ne3A_477 = arith.cmpi ne, %sign3A_469, %sign3A_476 : i32
      %rem3A_478 = arith.remsi %scan3A_148, %jit3A_461 : i32
      %ne3A_479 = arith.constant 0 : i32
      %ne3A_480 = arith.cmpi ne, %rem3A_478, %ne3A_479 : i32
      %and3A_481 = arith.andi %ne3A_477, %ne3A_480 : i1
      %sub3A_482 = arith.constant 1 : i32
      %sub3A_483 = arith.subi %div3A_462, %sub3A_482 : i32
      %select_n3A_484 = arith.select %and3A_481, %sub3A_483, %div3A_462 : i32
      %and3A_485 = arith.constant 1 : i32
      %and3A_486 = arith.andi %select_n3A_484, %and3A_485 : i32
      %jit3A_487 = arith.constant 32 : i32
      %eq3A_488 = arith.constant 0 : i32
      %eq3A_489 = arith.cmpi eq, %jit3A_487, %eq3A_488 : i32
      %jit3A_490 = arith.constant 1 : i32
      %select_n3A_491 = arith.select %eq3A_489, %jit3A_490, %jit3A_487 : i32
      %rem3A_492 = arith.remsi %scan3A_148, %select_n3A_491 : i32
      %ne3A_493 = arith.constant 0 : i32
      %ne3A_494 = arith.cmpi ne, %rem3A_492, %ne3A_493 : i32
      %lt3A_495 = arith.constant 0 : i32
      %lt3A_496 = arith.cmpi slt, %rem3A_492, %lt3A_495 : i32
      %lt3A_497 = arith.constant 0 : i32
      %lt3A_498 = arith.cmpi slt, %select_n3A_491, %lt3A_497 : i32
      %ne3A_499 = arith.xori %lt3A_496, %lt3A_498 : i1
      %and3A_500 = arith.andi %ne3A_499, %ne3A_494 : i1
      %add3A_501 = arith.addi %rem3A_492, %select_n3A_491 : i32
      %select_n3A_502 = arith.select %and3A_500, %add3A_501, %rem3A_492 : i32
      %get3A_503 = arith.index_cast %and3A_486 : i32 to index
      %get3A_504 = arith.index_cast %select_n3A_502 : i32 to index
      %get3A_505 = arith.constant 64 : index
      %get3A_506 = tpu.vector_load %arg10[%get3A_503, %get3A_504, %get3A_505] {strides = array<i32>} : memref<2x32x80xi32, #tpu.memory_space<vmem>>, vector<16xi32>,
      tpu.vector_store_idx %arg11[%get3A_506], %broadcast_in_dim3A_19 {add = true} : memref<10112xf32, #tpu.memory_space<vmem>>[vector<16xi32>], vector<16xf32>,
      %scan3A_507 = arith.constant 0 : i32
      scf.yield %scan3A_507 : i32
    }
    %scan3A_97 = arith.constant 125 : i32
    %and3A = arith.constant 3 : i32
    %and3A_98 = arith.constant 1 : i32
    %and3A_99 = arith.andi %and3A, %and3A_98 : i32
    %jit3A = arith.constant 124 : i32
    %jit3A_100 = arith.constant 32 : i32
    %eq3A = arith.constant 0 : i32
    %eq3A_101 = arith.cmpi eq, %jit3A_100, %eq3A : i32
    %jit3A_102 = arith.constant 1 : i32
    %select_n3A = arith.select %eq3A_101, %jit3A_102, %jit3A_100 : i32
    %rem3A = arith.remsi %jit3A, %select_n3A : i32
    %ne3A = arith.constant 0 : i32
    %ne3A_103 = arith.cmpi ne, %rem3A, %ne3A : i32
    %lt3A = arith.constant 0 : i32
    %lt3A_104 = arith.cmpi slt, %rem3A, %lt3A : i32
    %lt3A_105 = arith.constant 0 : i32
    %lt3A_106 = arith.cmpi slt, %select_n3A, %lt3A_105 : i32
    %ne3A_107 = arith.xori %lt3A_104, %lt3A_106 : i1
    %and3A_108 = arith.andi %ne3A_107, %ne3A_103 : i1
    %add3A_109 = arith.addi %rem3A, %select_n3A : i32
    %select_n3A_110 = arith.select %and3A_108, %add3A_109, %rem3A : i32
    %dma_wait3A = arith.constant 1 : i32
    %dma_wait3A_111 = arith.constant 0 : i32
    %dma_wait3A_112 = arith.constant 0 : i32
    %dma_wait3A_113 = tpu.memref_slice %arg9[%dma_wait3A, %dma_wait3A_111, %dma_wait3A_112] : memref<3x80x128xf32, #tpu.memory_space<vmem>> -> memref<1x80x128xf32, #tpu.memory_space<vmem>>
    %dma_wait3A_114 = tpu.memref_squeeze %dma_wait3A_113 : memref<1x80x128xf32, #tpu.memory_space<vmem>> -> memref<80x128xf32, #tpu.memory_space<vmem>>
    %dma_wait3A_115 = arith.constant 0 : i32
    %dma_wait3A_116 = tpu.memref_slice %arg10[%and3A_99, %select_n3A_110, %dma_wait3A_115] : memref<2x32x80xi32, #tpu.memory_space<vmem>> -> memref<1x1x80xi32, #tpu.memory_space<vmem>>
    %dma_wait3A_117 = tpu.memref_squeeze %dma_wait3A_116 : memref<1x1x80xi32, #tpu.memory_space<vmem>> -> memref<80xi32, #tpu.memory_space<vmem>>
    %dma_wait3A_118 = arith.constant 0 : i32
    %dma_wait3A_119 = arith.constant 0 : i32
    %dma_wait3A_120 = tpu.memref_slice %arg8[%dma_wait3A_118, %dma_wait3A_119] : memref<10240x128xf32, #tpu.memory_space<vmem_shared>> -> memref<10240x128xf32, #tpu.memory_space<vmem_shared>>
    tpu.wait_indirect_dma semaphore(%arg14 : memref<!tpu.dma_semaphore, #tpu.memory_space<semaphore_mem>>) src(%dma_wait3A_114 : memref<80x128xf32, #tpu.memory_space<vmem>>) dst(%dma_wait3A_120 : memref<10240x128xf32, #tpu.memory_space<vmem_shared>>)
    %barrier3A_121 = arith.constant 0 : index
    tpu.barrier barrier_id(%barrier3A_121)
    %dma_start3A_122 = arith.constant 0 : i32
    %dma_start3A_123 = tpu.memref_slice %arg7[%add3A, %dma_start3A_122] : memref<32x10112xf32, #tpu.memory_space<hbm>> -> memref<1x10112xf32, #tpu.memory_space<hbm>>
    %dma_start3A_124 = tpu.memref_squeeze %dma_start3A_123 : memref<1x10112xf32, #tpu.memory_space<hbm>> -> memref<10112xf32, #tpu.memory_space<hbm>>
    %dma_start3A_125 = arith.constant 0 : i32
    %dma_start3A_126 = tpu.memref_slice %arg7[%add3A, %dma_start3A_125] : memref<32x10112xf32, #tpu.memory_space<hbm>> -> memref<1x10112xf32, #tpu.memory_space<hbm>>
    %dma_start3A_127 = tpu.memref_squeeze %dma_start3A_126 : memref<1x10112xf32, #tpu.memory_space<hbm>> -> memref<10112xf32, #tpu.memory_space<hbm>>
    tpu.enqueue_dma source(%arg11 : memref<10112xf32, #tpu.memory_space<vmem>>) target(%dma_start3A_127 : memref<10112xf32, #tpu.memory_space<hbm>>) target_semaphore(%arg13 : memref<!tpu.dma_semaphore, #tpu.memory_space<semaphore_mem>>)
    %scan3A_128 = arith.constant 0 : i32
    %scan3A_129 = arith.constant 0 : i32
    %scan3A_130 = arith.constant 8 : i32
    %scan3A_131 = arith.addi %scan3A_129, %scan3A_130 : i32
    %scan3A_132 = arith.constant 1 : i32
    %scan3A_133 = scf.for %scan3A_148 = %scan3A_129 to %scan3A_131 step %scan3A_132 iter_args(%scan3A_149 = %scan3A_128) -> (i32)  : i32 {
      %mul3A_150 = arith.constant 80 : i32
      %mul3A_151 = arith.muli %scan3A_148, %mul3A_150 : i32
      %add3A_152 = arith.addi %mul3A_3, %mul3A_151 : i32
      %dma_start3A_153 = arith.constant 0 : i32
      %dma_start3A_154 = tpu.memref_slice %arg12[%dma_start3A_153] : memref<3x!tpu.dma_semaphore, #tpu.memory_space<semaphore_mem>> -> memref<1x!tpu.dma_semaphore, #tpu.memory_space<semaphore_mem>>
      %dma_start3A_155 = tpu.memref_squeeze %dma_start3A_154 : memref<1x!tpu.dma_semaphore, #tpu.memory_space<semaphore_mem>> -> memref<!tpu.dma_semaphore, #tpu.memory_space<semaphore_mem>>
      %dma_start3A_156 = arith.constant 0 : i32
      %dma_start3A_157 = tpu.memref_slice %arg6[%arg0, %add3A_152, %dma_start3A_156] : memref<2x10240x128xf32, #tpu.memory_space<hbm>> -> memref<1x80x128xf32, #tpu.memory_space<hbm>>
      %dma_start3A_158 = tpu.memref_squeeze %dma_start3A_157 : memref<1x80x128xf32, #tpu.memory_space<hbm>> -> memref<80x128xf32, #tpu.memory_space<hbm>>
      %dma_start3A_159 = arith.constant 0 : i32
      %dma_start3A_160 = tpu.memref_slice %arg8[%add3A_152, %dma_start3A_159] : memref<10240x128xf32, #tpu.memory_space<vmem_shared>> -> memref<80x128xf32, #tpu.memory_space<vmem_shared>>
      tpu.enqueue_dma source(%dma_start3A_160 : memref<80x128xf32, #tpu.memory_space<vmem_shared>>) target(%dma_start3A_158 : memref<80x128xf32, #tpu.memory_space<hbm>>) target_semaphore(%dma_start3A_155 : memref<!tpu.dma_semaphore, #tpu.memory_space<semaphore_mem>>)
      %scan3A_161 = arith.constant 0 : i32
      scf.yield %scan3A_161 : i32
    }
    %scan3A_134 = arith.constant 8 : i32
    %scan3A_135 = arith.constant 0 : i32
    %scan3A_136 = arith.constant 0 : i32
    %scan3A_137 = arith.constant 8 : i32
    %scan3A_138 = arith.addi %scan3A_136, %scan3A_137 : i32
    %scan3A_139 = arith.constant 1 : i32
    %scan3A_140 = scf.for %scan3A_148 = %scan3A_136 to %scan3A_138 step %scan3A_139 iter_args(%scan3A_149 = %scan3A_135) -> (i32)  : i32 {
      %mul3A_150 = arith.constant 80 : i32
      %mul3A_151 = arith.muli %scan3A_148, %mul3A_150 : i32
      %add3A_152 = arith.addi %mul3A_3, %mul3A_151 : i32
      %dma_wait3A_153 = arith.constant 0 : i32
      %dma_wait3A_154 = tpu.memref_slice %arg12[%dma_wait3A_153] : memref<3x!tpu.dma_semaphore, #tpu.memory_space<semaphore_mem>> -> memref<1x!tpu.dma_semaphore, #tpu.memory_space<semaphore_mem>>
      %dma_wait3A_155 = tpu.memref_squeeze %dma_wait3A_154 : memref<1x!tpu.dma_semaphore, #tpu.memory_space<semaphore_mem>> -> memref<!tpu.dma_semaphore, #tpu.memory_space<semaphore_mem>>
      %dma_wait3A_156 = arith.constant 0 : i32
      %dma_wait3A_157 = tpu.memref_slice %arg6[%arg0, %add3A_152, %dma_wait3A_156] : memref<2x10240x128xf32, #tpu.memory_space<hbm>> -> memref<1x80x128xf32, #tpu.memory_space<hbm>>
      %dma_wait3A_158 = tpu.memref_squeeze %dma_wait3A_157 : memref<1x80x128xf32, #tpu.memory_space<hbm>> -> memref<80x128xf32, #tpu.memory_space<hbm>>
      %dma_wait3A_159 = arith.constant 0 : i32
      %dma_wait3A_160 = tpu.memref_slice %arg8[%add3A_152, %dma_wait3A_159] : memref<10240x128xf32, #tpu.memory_space<vmem_shared>> -> memref<80x128xf32, #tpu.memory_space<vmem_shared>>
      tpu.wait_dma2 semaphore(%dma_wait3A_155 : memref<!tpu.dma_semaphore, #tpu.memory_space<semaphore_mem>>) src(%dma_wait3A_160 : memref<80x128xf32, #tpu.memory_space<vmem_shared>>) dst(%dma_wait3A_158 : memref<80x128xf32, #tpu.memory_space<hbm>>)
      %scan3A_161 = arith.constant 0 : i32
      scf.yield %scan3A_161 : i32
    }
    %scan3A_141 = arith.constant 8 : i32
    %dma_wait3A_142 = arith.constant 0 : i32
    %dma_wait3A_143 = tpu.memref_slice %arg7[%add3A, %dma_wait3A_142] : memref<32x10112xf32, #tpu.memory_space<hbm>> -> memref<1x10112xf32, #tpu.memory_space<hbm>>
    %dma_wait3A_144 = tpu.memref_squeeze %dma_wait3A_143 : memref<1x10112xf32, #tpu.memory_space<hbm>> -> memref<10112xf32, #tpu.memory_space<hbm>>
    %dma_wait3A_145 = arith.constant 0 : i32
    %dma_wait3A_146 = tpu.memref_slice %arg7[%add3A, %dma_wait3A_145] : memref<32x10112xf32, #tpu.memory_space<hbm>> -> memref<1x10112xf32, #tpu.memory_space<hbm>>
    %dma_wait3A_147 = tpu.memref_squeeze %dma_wait3A_146 : memref<1x10112xf32, #tpu.memory_space<hbm>> -> memref<10112xf32, #tpu.memory_space<hbm>>
    tpu.wait_dma2 semaphore(%arg13 : memref<!tpu.dma_semaphore, #tpu.memory_space<semaphore_mem>>) src(%arg11 : memref<10112xf32, #tpu.memory_space<vmem>>) dst(%dma_wait3A_147 : memref<10112xf32, #tpu.memory_space<hbm>>)
    return
  }
}

module attributes {stable_mosaic.version = 14 : i64} {
  func.func @_tc_body(%arg0: i32, %arg1: memref<1024x128xf32, #tpu.memory_space<vmem>>, %arg2: memref<1024x128xf32, #tpu.memory_space<vmem>>, %arg3: memref<1024x128xf32, #tpu.memory_space<vmem>>, %arg4: memref<32x1024xf32, #tpu.memory_space<vmem>>, %arg5: memref<1x1x1024xi32, #tpu.memory_space<vmem>>, %arg6: memref<64x128xf32, #tpu.memory_space<vmem>>, %arg7: memref<384x128xf32, #tpu.memory_space<vmem>>, %arg8: memref<128x128xf32, #tpu.memory_space<vmem>>, %arg9: memref<128x128xf32, #tpu.memory_space<vmem>>, %arg10: memref<1x128xf32, #tpu.memory_space<vmem>>, %arg11: memref<1x128xf32, #tpu.memory_space<vmem>>, %arg12: memref<1x128xf32, #tpu.memory_space<vmem>>, %arg13: memref<1x128xf32, #tpu.memory_space<vmem>>, %arg14: memref<1x128xf32, #tpu.memory_space<vmem>>, %arg15: memref<1x128xf32, #tpu.memory_space<vmem>>, %arg16: memref<1x128xf32, #tpu.memory_space<vmem>>, %arg17: memref<1x128xf32, #tpu.memory_space<vmem>>, %arg18: memref<1x128xf32, #tpu.memory_space<vmem>>, %arg19: memref<1024x128xf32, #tpu.memory_space<vmem>>) attributes {dimension_semantics = [#tpu.dimension_semantics<arbitrary>], iteration_bounds = array<i64: 10>, scalar_prefetch = 0 : i64, scratch_operands = 0 : i64, tpu.core_type = #tpu.core_type<tc>, window_params = [{transform_indices = @transform_0, window_bounds = array<i64: 1024, 128>}, {transform_indices = @transform_1, window_bounds = array<i64: 1024, 128>}, {transform_indices = @transform_2, window_bounds = array<i64: 1024, 128>}, {transform_indices = @transform_3, window_bounds = array<i64: 32, 1024>}, {transform_indices = @transform_4, window_bounds = array<i64: 1, 1, 1024>}, {pipeline_mode = #tpu.pipeline_mode<synchronous>, transform_indices = @transform_5, window_bounds = array<i64: 64, 128>}, {pipeline_mode = #tpu.pipeline_mode<synchronous>, transform_indices = @transform_6, window_bounds = array<i64: 384, 128>}, {pipeline_mode = #tpu.pipeline_mode<synchronous>, transform_indices = @transform_7, window_bounds = array<i64: 128, 128>}, {pipeline_mode = #tpu.pipeline_mode<synchronous>, transform_indices = @transform_8, window_bounds = array<i64: 128, 128>}, {pipeline_mode = #tpu.pipeline_mode<synchronous>, transform_indices = @transform_9, window_bounds = array<i64: 1, 128>}, {pipeline_mode = #tpu.pipeline_mode<synchronous>, transform_indices = @transform_10, window_bounds = array<i64: 1, 128>}, {pipeline_mode = #tpu.pipeline_mode<synchronous>, transform_indices = @transform_11, window_bounds = array<i64: 1, 128>}, {pipeline_mode = #tpu.pipeline_mode<synchronous>, transform_indices = @transform_12, window_bounds = array<i64: 1, 128>}, {pipeline_mode = #tpu.pipeline_mode<synchronous>, transform_indices = @transform_13, window_bounds = array<i64: 1, 128>}, {pipeline_mode = #tpu.pipeline_mode<synchronous>, transform_indices = @transform_14, window_bounds = array<i64: 1, 128>}, {pipeline_mode = #tpu.pipeline_mode<synchronous>, transform_indices = @transform_15, window_bounds = array<i64: 1, 128>}, {pipeline_mode = #tpu.pipeline_mode<synchronous>, transform_indices = @transform_16, window_bounds = array<i64: 1, 128>}, {pipeline_mode = #tpu.pipeline_mode<synchronous>, transform_indices = @transform_17, window_bounds = array<i64: 1, 128>}, {transform_indices = @transform_18, window_bounds = array<i64: 1024, 128>}]} {
    %get3A = arith.constant 0 : index
    %get3A_0 = arith.constant 0 : index
    %get3A_1 = vector.load %arg4[%get3A, %get3A_0] : memref<32x1024xf32, #tpu.memory_space<vmem>>, vector<32x1024xf32>
    %reduce_sum3A = arith.constant dense<0.000000e+00> : vector<1024xf32>
    %reduce_sum3A_2 = vector.multi_reduction <add>, %get3A_1, %reduce_sum3A [0] : vector<32x1024xf32> to vector<1024xf32>
    %reshape3A = vector.shape_cast %reduce_sum3A_2 : vector<1024xf32> to vector<1024x1xf32>
    %get3A_3 = arith.constant 0 : index
    %get3A_4 = arith.constant 0 : index
    %get3A_5 = vector.load %arg2[%get3A_3, %get3A_4] : memref<1024x128xf32, #tpu.memory_space<vmem>>, vector<1024x128xf32>
    %get3A_6 = arith.constant 0 : index
    %get3A_7 = arith.constant 0 : index
    %get3A_8 = vector.load %arg3[%get3A_6, %get3A_7] : memref<1024x128xf32, #tpu.memory_space<vmem>>, vector<1024x128xf32>
    %add3A = arith.addf %get3A_5, %get3A_8 : vector<1024x128xf32>
    %max3A = arith.constant 1.000000e+00 : f32
    %max3A_9 = vector.broadcast %max3A : f32 to vector<1024x1xf32>
    %max3A_10 = arith.maximumf %reshape3A, %max3A_9 : vector<1024x1xf32>
    %div3A = vector.broadcast %max3A_10 : vector<1024x1xf32> to vector<1024x128xf32>
    %div3A_11 = arith.divf %add3A, %div3A : vector<1024x128xf32>
    %get3A_12 = arith.constant 0 : index
    %get3A_13 = arith.constant 0 : index
    %get3A_14 = arith.constant 0 : index
    %get3A_15 = vector.load %arg5[%get3A_12, %get3A_13, %get3A_14] : memref<1x1x1024xi32, #tpu.memory_space<vmem>>, vector<1x1x1024xi32>
    %get3A_16 = vector.shape_cast %get3A_15 : vector<1x1x1024xi32> to vector<1024xi32>
    %broadcast_in_dim3A = vector.shape_cast %get3A_16 : vector<1024xi32> to vector<1024x1xi32>
    %iota3A = tpu.iota {dimensions = array<i32: 1>} : vector<1x64xi32>
    %eq3A = vector.broadcast %broadcast_in_dim3A : vector<1024x1xi32> to vector<1024x64xi32>
    %eq3A_17 = vector.broadcast %iota3A : vector<1x64xi32> to vector<1024x64xi32>
    %eq3A_18 = arith.cmpi eq, %eq3A, %eq3A_17 : vector<1024x64xi32>
    %convert_element_type3A = arith.extui %eq3A_18 : vector<1024x64xi1> to vector<1024x64xi32>
    %convert_element_type3A_19 = arith.sitofp %convert_element_type3A : vector<1024x64xi32> to vector<1024x64xf32>
    %get3A_20 = arith.constant 0 : index
    %get3A_21 = arith.constant 0 : index
    %get3A_22 = vector.load %arg6[%get3A_20, %get3A_21] : memref<64x128xf32, #tpu.memory_space<vmem>>, vector<64x128xf32>
    %get3A_23 = arith.constant 256 : index
    %get3A_24 = arith.constant 0 : index
    %get3A_25 = vector.load %arg7[%get3A_23, %get3A_24] : memref<384x128xf32, #tpu.memory_space<vmem>>, vector<128x128xf32>
    %dot_general3A = arith.constant dense<0.000000e+00> : vector<64x128xf32>
    %dot_general3A_26 = tpu.matmul %get3A_22, %get3A_25, %dot_general3A {dimension_numbers = #tpu.dot_dimension_numbers<[1], [0], [0], [1], [0, 0, 1, 1], [], []>, transpose_lhs_hint = false} : vector<64x128xf32>, vector<128x128xf32>, vector<64x128xf32> -> vector<64x128xf32>
    %get3A_27 = arith.constant 0 : index
    %get3A_28 = arith.constant 0 : index
    %get3A_29 = vector.load %arg1[%get3A_27, %get3A_28] : memref<1024x128xf32, #tpu.memory_space<vmem>>, vector<1024x128xf32>
    %get3A_30 = arith.constant 0 : index
    %get3A_31 = arith.constant 0 : index
    %get3A_32 = vector.load %arg7[%get3A_30, %get3A_31] : memref<384x128xf32, #tpu.memory_space<vmem>>, vector<128x128xf32>
    %dot_general3A_33 = arith.constant dense<0.000000e+00> : vector<1024x128xf32>
    %dot_general3A_34 = tpu.matmul %get3A_29, %get3A_32, %dot_general3A_33 {dimension_numbers = #tpu.dot_dimension_numbers<[1], [0], [0], [1], [0, 0, 1, 1], [], []>, transpose_lhs_hint = false} : vector<1024x128xf32>, vector<128x128xf32>, vector<1024x128xf32> -> vector<1024x128xf32>
    %get3A_35 = arith.constant 128 : index
    %get3A_36 = arith.constant 0 : index
    %get3A_37 = vector.load %arg7[%get3A_35, %get3A_36] : memref<384x128xf32, #tpu.memory_space<vmem>>, vector<128x128xf32>
    %dot_general3A_38 = arith.constant dense<0.000000e+00> : vector<1024x128xf32>
    %dot_general3A_39 = tpu.matmul %div3A_11, %get3A_37, %dot_general3A_38 {dimension_numbers = #tpu.dot_dimension_numbers<[1], [0], [0], [1], [0, 0, 1, 1], [], []>, transpose_lhs_hint = false} : vector<1024x128xf32>, vector<128x128xf32>, vector<1024x128xf32> -> vector<1024x128xf32>
    %add3A_40 = arith.addf %dot_general3A_34, %dot_general3A_39 : vector<1024x128xf32>
    %dot_general3A_41 = arith.constant dense<0.000000e+00> : vector<1024x128xf32>
    %dot_general3A_42 = tpu.matmul %convert_element_type3A_19, %dot_general3A_26, %dot_general3A_41 {dimension_numbers = #tpu.dot_dimension_numbers<[1], [0], [0], [1], [0, 0, 1, 1], [], []>, transpose_lhs_hint = false} : vector<1024x64xf32>, vector<64x128xf32>, vector<1024x128xf32> -> vector<1024x128xf32>
    %add3A_43 = arith.addf %add3A_40, %dot_general3A_42 : vector<1024x128xf32>
    %get3A_44 = arith.constant 0 : index
    %get3A_45 = arith.constant 0 : index
    %get3A_46 = vector.load %arg10[%get3A_44, %get3A_45] : memref<1x128xf32, #tpu.memory_space<vmem>>, vector<1x128xf32>
    %add3A_47 = vector.broadcast %get3A_46 : vector<1x128xf32> to vector<1024x128xf32>
    %add3A_48 = arith.addf %add3A_43, %add3A_47 : vector<1024x128xf32>
    %max3A_49 = arith.constant 0.000000e+00 : f32
    %max3A_50 = vector.broadcast %max3A_49 : f32 to vector<1024x128xf32>
    %max3A_51 = arith.maximumf %add3A_48, %max3A_50 : vector<1024x128xf32>
    %get3A_52 = arith.constant 0 : index
    %get3A_53 = arith.constant 0 : index
    %get3A_54 = vector.load %arg13[%get3A_52, %get3A_53] : memref<1x128xf32, #tpu.memory_space<vmem>>, vector<1x128xf32>
    %mul3A = vector.broadcast %get3A_54 : vector<1x128xf32> to vector<1024x128xf32>
    %mul3A_55 = arith.mulf %max3A_51, %mul3A : vector<1024x128xf32>
    %get3A_56 = arith.constant 0 : index
    %get3A_57 = arith.constant 0 : index
    %get3A_58 = vector.load %arg16[%get3A_56, %get3A_57] : memref<1x128xf32, #tpu.memory_space<vmem>>, vector<1x128xf32>
    %add3A_59 = vector.broadcast %get3A_58 : vector<1x128xf32> to vector<1024x128xf32>
    %add3A_60 = arith.addf %mul3A_55, %add3A_59 : vector<1024x128xf32>
    %get3A_61 = arith.constant 0 : index
    %get3A_62 = arith.constant 0 : index
    %get3A_63 = vector.load %arg8[%get3A_61, %get3A_62] : memref<128x128xf32, #tpu.memory_space<vmem>>, vector<128x128xf32>
    %dot_general3A_64 = arith.constant dense<0.000000e+00> : vector<1024x128xf32>
    %dot_general3A_65 = tpu.matmul %add3A_60, %get3A_63, %dot_general3A_64 {dimension_numbers = #tpu.dot_dimension_numbers<[1], [0], [0], [1], [0, 0, 1, 1], [], []>, transpose_lhs_hint = false} : vector<1024x128xf32>, vector<128x128xf32>, vector<1024x128xf32> -> vector<1024x128xf32>
    %get3A_66 = arith.constant 0 : index
    %get3A_67 = arith.constant 0 : index
    %get3A_68 = vector.load %arg11[%get3A_66, %get3A_67] : memref<1x128xf32, #tpu.memory_space<vmem>>, vector<1x128xf32>
    %add3A_69 = vector.broadcast %get3A_68 : vector<1x128xf32> to vector<1024x128xf32>
    %add3A_70 = arith.addf %dot_general3A_65, %add3A_69 : vector<1024x128xf32>
    %max3A_71 = arith.constant 0.000000e+00 : f32
    %max3A_72 = vector.broadcast %max3A_71 : f32 to vector<1024x128xf32>
    %max3A_73 = arith.maximumf %add3A_70, %max3A_72 : vector<1024x128xf32>
    %get3A_74 = arith.constant 0 : index
    %get3A_75 = arith.constant 0 : index
    %get3A_76 = vector.load %arg14[%get3A_74, %get3A_75] : memref<1x128xf32, #tpu.memory_space<vmem>>, vector<1x128xf32>
    %mul3A_77 = vector.broadcast %get3A_76 : vector<1x128xf32> to vector<1024x128xf32>
    %mul3A_78 = arith.mulf %max3A_73, %mul3A_77 : vector<1024x128xf32>
    %get3A_79 = arith.constant 0 : index
    %get3A_80 = arith.constant 0 : index
    %get3A_81 = vector.load %arg17[%get3A_79, %get3A_80] : memref<1x128xf32, #tpu.memory_space<vmem>>, vector<1x128xf32>
    %add3A_82 = vector.broadcast %get3A_81 : vector<1x128xf32> to vector<1024x128xf32>
    %add3A_83 = arith.addf %mul3A_78, %add3A_82 : vector<1024x128xf32>
    %get3A_84 = arith.constant 0 : index
    %get3A_85 = arith.constant 0 : index
    %get3A_86 = vector.load %arg9[%get3A_84, %get3A_85] : memref<128x128xf32, #tpu.memory_space<vmem>>, vector<128x128xf32>
    %dot_general3A_87 = arith.constant dense<0.000000e+00> : vector<1024x128xf32>
    %dot_general3A_88 = tpu.matmul %add3A_83, %get3A_86, %dot_general3A_87 {dimension_numbers = #tpu.dot_dimension_numbers<[1], [0], [0], [1], [0, 0, 1, 1], [], []>, transpose_lhs_hint = false} : vector<1024x128xf32>, vector<128x128xf32>, vector<1024x128xf32> -> vector<1024x128xf32>
    %get3A_89 = arith.constant 0 : index
    %get3A_90 = arith.constant 0 : index
    %get3A_91 = vector.load %arg12[%get3A_89, %get3A_90] : memref<1x128xf32, #tpu.memory_space<vmem>>, vector<1x128xf32>
    %add3A_92 = vector.broadcast %get3A_91 : vector<1x128xf32> to vector<1024x128xf32>
    %add3A_93 = arith.addf %dot_general3A_88, %add3A_92 : vector<1024x128xf32>
    %max3A_94 = arith.constant 0.000000e+00 : f32
    %max3A_95 = vector.broadcast %max3A_94 : f32 to vector<1024x128xf32>
    %max3A_96 = arith.maximumf %add3A_93, %max3A_95 : vector<1024x128xf32>
    %get3A_97 = arith.constant 0 : index
    %get3A_98 = arith.constant 0 : index
    %get3A_99 = vector.load %arg15[%get3A_97, %get3A_98] : memref<1x128xf32, #tpu.memory_space<vmem>>, vector<1x128xf32>
    %mul3A_100 = vector.broadcast %get3A_99 : vector<1x128xf32> to vector<1024x128xf32>
    %mul3A_101 = arith.mulf %max3A_96, %mul3A_100 : vector<1024x128xf32>
    %get3A_102 = arith.constant 0 : index
    %get3A_103 = arith.constant 0 : index
    %get3A_104 = vector.load %arg18[%get3A_102, %get3A_103] : memref<1x128xf32, #tpu.memory_space<vmem>>, vector<1x128xf32>
    %add3A_105 = vector.broadcast %get3A_104 : vector<1x128xf32> to vector<1024x128xf32>
    %add3A_106 = arith.addf %mul3A_101, %add3A_105 : vector<1024x128xf32>
    %swap3A = arith.constant 0 : index
    %swap3A_107 = arith.constant 0 : index
    %swap3A_108 = vector.load %arg19[%swap3A, %swap3A_107] : memref<1024x128xf32, #tpu.memory_space<vmem>>, vector<1024x128xf32>
    tpu.vector_store %arg19[%swap3A, %swap3A_107], %add3A_106 {strides = array<i32>} : memref<1024x128xf32, #tpu.memory_space<vmem>>, vector<1024x128xf32>,
    return
  }
  func.func @transform_0(%arg0: i32) -> (i32, i32) {
    %c0_i32 = arith.constant 0 : i32
    %c0_i32_0 = arith.constant 0 : i32
    return %arg0, %c0_i32 : i32, i32
  }
  func.func @transform_1(%arg0: i32) -> (i32, i32) {
    %c0_i32 = arith.constant 0 : i32
    %c0_i32_0 = arith.constant 0 : i32
    return %arg0, %c0_i32 : i32, i32
  }
  func.func @transform_2(%arg0: i32) -> (i32, i32) {
    %c0_i32 = arith.constant 0 : i32
    %c0_i32_0 = arith.constant 0 : i32
    return %arg0, %c0_i32 : i32, i32
  }
  func.func @transform_3(%arg0: i32) -> (i32, i32) {
    %c0_i32 = arith.constant 0 : i32
    %c0_i32_0 = arith.constant 0 : i32
    return %c0_i32, %arg0 : i32, i32
  }
  func.func @transform_4(%arg0: i32) -> (i32, i32, i32) {
    %c0_i32 = arith.constant 0 : i32
    %c0_i32_0 = arith.constant 0 : i32
    %c0_i32_1 = arith.constant 0 : i32
    return %arg0, %c0_i32, %c0_i32_0 : i32, i32, i32
  }
  func.func @transform_5(%arg0: i32) -> (i32, i32) {
    %c0_i32 = arith.constant 0 : i32
    %c0_i32_0 = arith.constant 0 : i32
    %c0_i32_1 = arith.constant 0 : i32
    return %c0_i32, %c0_i32_0 : i32, i32
  }
  func.func @transform_6(%arg0: i32) -> (i32, i32) {
    %c0_i32 = arith.constant 0 : i32
    %c0_i32_0 = arith.constant 0 : i32
    %c0_i32_1 = arith.constant 0 : i32
    return %c0_i32, %c0_i32_0 : i32, i32
  }
  func.func @transform_7(%arg0: i32) -> (i32, i32) {
    %c0_i32 = arith.constant 0 : i32
    %c0_i32_0 = arith.constant 0 : i32
    %c0_i32_1 = arith.constant 0 : i32
    return %c0_i32, %c0_i32_0 : i32, i32
  }
  func.func @transform_8(%arg0: i32) -> (i32, i32) {
    %c0_i32 = arith.constant 0 : i32
    %c0_i32_0 = arith.constant 0 : i32
    %c0_i32_1 = arith.constant 0 : i32
    return %c0_i32, %c0_i32_0 : i32, i32
  }
  func.func @transform_9(%arg0: i32) -> (i32, i32) {
    %c0_i32 = arith.constant 0 : i32
    %c0_i32_0 = arith.constant 0 : i32
    %c0_i32_1 = arith.constant 0 : i32
    return %c0_i32, %c0_i32_0 : i32, i32
  }
  func.func @transform_10(%arg0: i32) -> (i32, i32) {
    %c0_i32 = arith.constant 0 : i32
    %c0_i32_0 = arith.constant 0 : i32
    %c0_i32_1 = arith.constant 0 : i32
    return %c0_i32, %c0_i32_0 : i32, i32
  }
  func.func @transform_11(%arg0: i32) -> (i32, i32) {
    %c0_i32 = arith.constant 0 : i32
    %c0_i32_0 = arith.constant 0 : i32
    %c0_i32_1 = arith.constant 0 : i32
    return %c0_i32, %c0_i32_0 : i32, i32
  }
  func.func @transform_12(%arg0: i32) -> (i32, i32) {
    %c0_i32 = arith.constant 0 : i32
    %c0_i32_0 = arith.constant 0 : i32
    %c0_i32_1 = arith.constant 0 : i32
    return %c0_i32, %c0_i32_0 : i32, i32
  }
  func.func @transform_13(%arg0: i32) -> (i32, i32) {
    %c0_i32 = arith.constant 0 : i32
    %c0_i32_0 = arith.constant 0 : i32
    %c0_i32_1 = arith.constant 0 : i32
    return %c0_i32, %c0_i32_0 : i32, i32
  }
  func.func @transform_14(%arg0: i32) -> (i32, i32) {
    %c0_i32 = arith.constant 0 : i32
    %c0_i32_0 = arith.constant 0 : i32
    %c0_i32_1 = arith.constant 0 : i32
    return %c0_i32, %c0_i32_0 : i32, i32
  }
  func.func @transform_15(%arg0: i32) -> (i32, i32) {
    %c0_i32 = arith.constant 0 : i32
    %c0_i32_0 = arith.constant 0 : i32
    %c0_i32_1 = arith.constant 0 : i32
    return %c0_i32, %c0_i32_0 : i32, i32
  }
  func.func @transform_16(%arg0: i32) -> (i32, i32) {
    %c0_i32 = arith.constant 0 : i32
    %c0_i32_0 = arith.constant 0 : i32
    %c0_i32_1 = arith.constant 0 : i32
    return %c0_i32, %c0_i32_0 : i32, i32
  }
  func.func @transform_17(%arg0: i32) -> (i32, i32) {
    %c0_i32 = arith.constant 0 : i32
    %c0_i32_0 = arith.constant 0 : i32
    %c0_i32_1 = arith.constant 0 : i32
    return %c0_i32, %c0_i32_0 : i32, i32
  }
  func.func @transform_18(%arg0: i32) -> (i32, i32) {
    %c0_i32 = arith.constant 0 : i32
    %c0_i32_0 = arith.constant 0 : i32
    return %arg0, %c0_i32 : i32, i32
  }
}

</mosaic_0001>

<sc_bundles>
// kernel: kernel.4.cloned.1.call-start
scs
__scs_entry_jumppad:
0x0: {  	(pc) =	sbr.rel $0x88, $3  }
0x1: {  	(tag) =	ssettag $0x0;
	lr =	simm.s32 $0x1  }
0x2: {  	[smem:$0x3F90] =	sst lr;
	_ =	strace $0xD0000000  }
0x3: {  	_ = 	snop  }
0x4: {  	_ = 	snop  }
0x5: {  	_ = 	snop  }
0x6: {  	_ = 	snop  }
0x7: {  	_ = 	snop  }
__scs_overlays_trampoline_lowered:
0x8: {  	[smem:$0x3F9F] =	sst s0  }
0x9: {  	[smem:$0x3FA0] =	sst s1  }
0xa: {  	[smem:$0x3FA1] =	sst s2  }
0xb: {  	[smem:$0x3FA2] =	sst s3  }
0xc: {  	[smem:$0x3FA3] =	sst s4  }
0xd: {  	[smem:$0x3FA4] =	sst s5  }
0xe: {  	[smem:$0x3FA5] =	sst s6  }
0xf: {  	[smem:$0x3FA6] =	sst s7  }
0x10: {  	[smem:$0x3FA7] =	sst s8  }
0x11: {  	[smem:$0x3FA8] =	sst s9;
	s0 =	simm.s32 @!p0 $0x0  }
0x12: {  	s1 =	sld [smem:$0x3F8E];
	s0 =	simm.s32 @p0 $0x1  }
0x13: {  	[smem:$0x3FA9] =	sst s0;
	s0 =	simm.s32 @!p1 $0x0  }
0x14: {  	s2 =	sld [smem:$0x3F8D];
	s0 =	simm.s32 @p1 $0x1  }
0x15: {  	[smem:$0x3FAA] =	sst s0;
	s0 =	simm.s32 @!p2 $0x0  }
0x16: {  	s3 =	sld [smem:$0x3FDB];
	s0 =	simm.s32 @p2 $0x1  }
0x17: {  	s4 =	simm.s32 $0x1BF5;
	[smem:$0x3FAC] =	sst s0  }
0x18: {  	s0 =	sld [smem:$0x3F8F];
	_ =	swait.ge [sflag:s4], $0x0  }
0x19: {  	s7 =	sld [smem:$0x3F90]  }
0x1a: {  	s8 =	sadd.s32 $0xFFFFE003, lr  }
0x1b: {  	s9 =	sadd.s32 $0xFFFFFEF7, lr;
	s5 =	simm.s32 $0xFFFFFFFF;
	p2 =	slt.u32 s8, $0xFFFFF086  }
0x1c: {  	p1 =	slt.u32 s9, $0xF7A;
	s5 =	simm.s32 @!p2 $0x0  }
0x1d: {  	s5 =	simm.s32 @p1 $0x1;
	p0 =	seq.s32 s7, s2  }
0x1e: {  	s7 =	smul.u32 @!p0 $0xF7A, s2;
	p2 =	seq.s32 @!p0 s5, $0x0  }
0x1f: {  	s9 =	smul.u32 $0xF7A, s1;
	s8 =	simm.s32 @!p0 $0x1BF5;
	p2 =	por !p2, p0  }
0x20: {  	[sflag:s8] =	ssyncset.s32 @!p0 $0xFFFFF086;
	s6 =	sadd.s32 @!p0 s3, s7;
	s7 =	simm.s32 @!p0 $0x108  }
0x21: {  	s3 =	sadd.s32 s3, s9;
	s6 =	sadd.s32 @!p0 $0x88, s6;
	s7 =	simm.s32 @p2 $0x1082  }
0x22: {  	[simem:s7], [sflag:s8] =	dma.local @!p0 [hbm:s6], $0xF7A  }
0x23: {  	s9 =	sor.u32 $0xD0000000, s2;
	s6 =	simm.s32 $0x108;
	_ =	swait.ge @!p0 [sflag:s8], $0x0  }
0x24: {  	s3 =	sadd.s32 $0x88, s3;
	s6 =	simm.s32 @!p1 $0x1082;
	[sflag:s4] =	ssyncset.s32 $0xFFFFF086  }
0x25: {  	[simem:s6], [sflag:s4] =	dma.local [hbm:s3], $0xF7A  }
0x26: {  	[smem:$0x3F90] =	sst s1;
	(tag) =	ssettag s2;
	_ =	strace s9  }
0x27: {  	s1 =	sld [smem:$0x3FA0]  }
0x28: {  	s2 =	sld [smem:$0x3FA1]  }
0x29: {  	s4 =	sld [smem:$0x3FA3]  }
0x2a: {  	p0 =	seq.s32 s5, $0x0;
	s5 =	sld [smem:$0x3FA4]  }
0x2b: {  	s6 =	sld [smem:$0x3FA5]  }
0x2c: {  	s7 =	sld [smem:$0x3FA6]  }
0x2d: {  	s3 =	simm.s32 $0x108;
	s8 =	sld [smem:$0x3FA7]  }
0x2e: {  	s3 =	simm.s32 @!p0 $0x1082;
	s9 =	sld [smem:$0x3FA8]  }
0x2f: {  	lr =	sadd.s32 s0, s3;
	s0 =	sld [smem:$0x3F9F]  }
0x30: {  	s3 =	sld [smem:$0x3FA2]  }
0x31: {  	[smem:$0x3FAB] =	sst s10  }
0x32: {  	s10 =	sld [smem:$0x3FA9];
	_ =	sdelay $0x3  }
0x33: {  	p0 =	seq.s32 s10, $0x1;
	s10 =	sld [smem:$0x3FAB];
	_ =	sdelay $0x3  }
0x34: {  	[smem:$0x3FAB] =	sst s10  }
0x35: {  	s10 =	sld [smem:$0x3FAA];
	_ =	sdelay $0x3  }
0x36: {  	p1 =	seq.s32 s10, $0x1;
	s10 =	sld [smem:$0x3FAB];
	_ =	sdelay $0x3  }
0x37: {  	[smem:$0x3FAB] =	sst s10  }
0x38: {  	s10 =	sld [smem:$0x3FAC]  }
0x39: {  	_ = 	snop;
	(pc) =	sbr.ind lr, $3  }
0x3a: {  	_ = 	snop  }
0x3b: {  	_ = 	snop  }
0x3c: {  	p2 =	seq.s32 s10, $0x1;
	s10 =	sld [smem:$0x3FAB]  }
0x3d: {  	_ =	shalt  }
0x3e: {  	_ =	shalt  }
0x3f: {  	_ =	shalt  }
0x40: {  	_ =	shalt  }
0x41: {  	_ =	shalt  }
0x42: {  	_ =	shalt  }
0x43: {  	_ =	shalt  }
0x44: {  	_ =	shalt  }
0x45: {  	_ =	shalt  }
0x46: {  	_ =	shalt  }
0x47: {  	_ =	shalt  }
0x48: {  	_ =	shalt  }
0x49: {  	_ =	shalt  }
0x4a: {  	_ =	shalt  }
0x4b: {  	_ =	shalt  }
0x4c: {  	_ =	shalt  }
0x4d: {  	_ =	shalt  }
0x4e: {  	_ =	shalt  }
0x4f: {  	_ =	shalt  }
0x50: {  	_ =	shalt  }
0x51: {  	_ =	shalt  }
0x52: {  	_ =	shalt  }
0x53: {  	_ =	shalt  }
0x54: {  	_ =	shalt  }
0x55: {  	_ =	shalt  }
0x56: {  	_ =	shalt  }
0x57: {  	_ =	shalt  }
0x58: {  	_ =	shalt  }
0x59: {  	_ =	shalt  }
0x5a: {  	_ =	shalt  }
0x5b: {  	_ =	shalt  }
0x5c: {  	_ =	shalt  }
0x5d: {  	_ =	shalt  }
0x5e: {  	_ =	shalt  }
0x5f: {  	_ =	shalt  }
0x60: {  	_ =	shalt  }
0x61: {  	_ =	shalt  }
0x62: {  	_ =	shalt  }
0x63: {  	_ =	shalt  }
0x64: {  	_ =	shalt  }
0x65: {  	_ =	shalt  }
0x66: {  	_ =	shalt  }
0x67: {  	_ =	shalt  }
0x68: {  	_ =	shalt  }
0x69: {  	_ =	shalt  }
0x6a: {  	_ =	shalt  }
0x6b: {  	_ =	shalt  }
0x6c: {  	_ =	shalt  }
0x6d: {  	_ =	shalt  }
0x6e: {  	_ =	shalt  }
0x6f: {  	_ =	shalt  }
0x70: {  	_ =	shalt  }
0x71: {  	_ =	shalt  }
0x72: {  	_ =	shalt  }
0x73: {  	_ =	shalt  }
0x74: {  	_ =	shalt  }
0x75: {  	_ =	shalt  }
0x76: {  	_ =	shalt  }
0x77: {  	_ =	shalt  }
0x78: {  	_ =	shalt  }
0x79: {  	_ =	shalt  }
0x7a: {  	_ =	shalt  }
0x7b: {  	_ =	shalt  }
0x7c: {  	_ =	shalt  }
0x7d: {  	_ =	shalt  }
0x7e: {  	_ =	shalt  }
0x7f: {  	_ =	shalt  }
0x80: {  	_ =	shalt  }
0x81: {  	_ =	shalt  }
0x82: {  	_ =	shalt  }
0x83: {  	_ =	shalt  }
0x84: {  	_ =	shalt  }
0x85: {  	_ =	shalt  }
0x86: {  	_ =	shalt  }
0x87: {  	_ =	shalt  }
.Lfunc_end0:
.L_simem_size_0:
called_computation_lowered:
.L_overlay_start_0:
0x88: {  	s2 =	sld [smem:$0x3FD9]  }
0x89: {  	s3 =	sld [smem:$0x3FFE];
	_ =	sdelay $0x1  }
0x8a: {  	s1 =	srdreg.scid  }
0x8b: {  	s0 =	sand.u32 $0x1, s1  }
0x8c: {  	s17 =	sshll.u32 s0, $0xA;
	s2 =	sadd.s32 s3, s2  }
0x8d: {  	s2 =	sadd.s32 s2, s17  }
0x8e: {  	[smem:$0x3FB7] =	sst s2  }
0x8f: {  	_ = 	snop  }
0x90: {  	s2 =	sld [smem:$0x3FC7]  }
0x91: {  	s18 =	sld [smem:$0x3FD0];
	(tm) =	ssettm $0x1  }
0x92: {  	s4 =	sld [smem:$0x3FFB];
	_ =	sdelay $0x3  }
0x93: {  	_ =	strace s4  }
0x94: {  	s4 =	sld [smem:$0x3FFC];
	_ =	sdelay $0x3  }
0x95: {  	_ =	strace s4  }
0x96: {  	s4 =	sld [smem:$0x3FFD];
	_ =	sdelay $0x3  }
0x97: {  	_ =	strace s4  }
0x98: {  	_ =	strace $0x8FFFFFFF  }
0x99: {  	s19 =	sld [smem:$0x3FDB];
	_ =	sdelay $0x1  }
0x9a: {  	s5 =	simm.s32 $_scs_section_size  }
0x9b: {  	s6 =	simm.s32 $_size__tile_overlayer_lowered;
	s7 =	simm.s32 $_tile_overlayer_lowered  }
0x9c: {  	s22 =	simm.s32 $0x1BFF;
	s21 =	sshll.u32 s7, $0x1;
	s4 =	sadd.s32 s5, s19  }
0x9d: {  	s8 =	simm.s32 $0x0;
	s20 =	sshll.u32 s6, $0x1;
	s6 =	sadd.s32 s21, s4  }
0x9e: {  	[timem:s8], [sflag:s22] =	dma.local [hbm:s6], s20  }
0x9f: {  	_ =	swait.ge [sflag:s22], s20  }
0xa0: {  	s5 =	ssub.s32 $0x0, s20;
	[sflag:s22] =	ssyncset.done $0x0  }
0xa1: {  	[sflag:s22] =	ssyncadd.s32 s5;
	_ =	sdelay $0x1  }
0xa2: {  	s23 =	simm.s32 $0x1B8B  }
0xa3: {  	_ =	swait.ge [sflag:s23], $0x1  }
0xa4: {  	[sflag:s23] =	ssyncset.done $0x0  }
0xa5: {  	s25 =	simm.s32 $0x1B8E;
	s24 =	sld [smem:$0x3FFE];
	[sflag:s23] =	ssyncadd.s32 $0xFFFFFFFF  }
0xa6: {  	s26 =	simm.s32 $execute0_lowered;
	[smem:$0x3FD2] =	sst s25  }
0xa7: {  	s6 =	sshll.u32 s26, $0x1;
	_ =	strace $0x80000046;
	[dreg:$0x1] =	wrdreg $0xFFFFFFFF  }
0xa8: {  	s28 =	simm.s32 $_size_execute0_lowered;
	s4 =	sadd.s32 s4, s6;
	[dreg:$0x0] =	wrdreg $0x0  }
0xa9: {  	s6 =	sshll.u32 s28, $0x1;
	[dreg:$0x2] =	wrdreg s4  }
0xaa: {  	[dreg:$0x3] =	wrdreg s6  }
0xab: {  	[dreg:$0x4] =	wrdreg $0xC0  }
0xac: {  	_ =	task [dreg:s8], $0x5FFFF  }
0xad: {  	[dreg:$0x1] =	wrdreg $0xFFFFFFFF  }
0xae: {  	[dreg:$0x0] =	wrdreg $0x60  }
0xaf: {  	[dreg:$0x2] =	wrdreg s2  }
0xb0: {  	[dreg:$0x3] =	wrdreg s18  }
0xb1: {  	[dreg:$0x4] =	wrdreg s24  }
0xb2: {  	[dreg:$0x5] =	wrdreg $0x0  }
0xb3: {  	[dreg:$0x6] =	wrdreg $0x9  }
0xb4: {  	_ =	task.clear_ibuf [dreg:s8], $0x7FFFF;
	_ =	strace $0x90000046  }
0xb5: {  	s29 =	simm.s32 $0x9;
	_ =	strace $0x80000048  }
0xb6: {  	_ =	swait.ge [sflag:s29], $0x1  }
0xb7: {  	[sflag:s29] =	ssyncadd.s32 $0xFFFFFFFF  }
0xb8: {  	_ =	strace $0x90000048  }
0xb9: {  	_ =	sfence  }
0xba: {  	s30 =	sld [smem:$0x0];
	_ =	sdelay $0x2  }
0xbb: {  	s31 =	sshll.u32 s1, $0xD;
	s1 =	sshrl.u32 s1, $0x2  }
0xbc: {  	s3 =	sand.u32 $0x4000, s31;
	s1 =	sadd.s32 s1, s30  }
0xbd: {  	s0 =	sor.u32 s3, s0;
	s1 =	sshll.u32 s1, $0x11  }
0xbe: {  	s0 =	sor.u32 s1, s0  }
0xbf: {  	s0 =	sadd.s32 $0x8F2B, s0  }
0xc0: {  	[sflag:s0] =	ssyncadd.remote.s32 $0x1  }
0xc1: {  	_ =	sfence.sel $0xFFFF  }
0xc2: {  	[dreg:$0x0] =	wrdreg $0xFFFFFFFF;
	(pc) =	sbr.abs _section_cstart, $3  }
0xc3: {  	[dreg:$0x1] =	wrdreg $0xFFFFFFFF  }
0xc4: {  	_ =	task.clear_ibuf [dreg:s8], $0x2FFFF;
	_ =	strace $0x9FFFFFFF  }
0xc5: {  	(tm) =	ssettm $0x7FFFFFFF  }
tec
execute0_lowered:
.L_overlay_start_1:
0x0: {  	(tag) =	ssettag $0x1  }
0x1: {  	s0 =	srdreg.scid;
	s3 =	rddreg [dreg:$0x0]  }
0x2: {  	s2 =	rddreg [dreg:$0x1];
	s14 =	stileid.u32  }
0x3: {  	s31 =	simm.s32 $0x1D800;
	s4 =	sand.u32 $0x1, s0;
	s0 =	rddreg [dreg:$0x2]  }
0x4: {  	s8 =	sshll.u32 s14, $0x7;
	s10 =	smul.u32 $0x14000, s14;
	s1 =	sshll.u32 s4, $0x4  }
0x5: {  	s7 =	sadd.s32 $0x3A00, s0;
	s8 =	sand.u32 $0x380, s8;
	s9 =	ssub.s32 $0x2, s4  }
0x6: {  	s5 =	sor.u32 s14, s1;
	s1 =	rddreg [dreg:$0x3];
	s30 =	sshrl.u32 s9, $0x1  }
0x7: {  	s23 =	sadd.s32 $0x5000, s10;
	s24 =	sadd.s32 $0x7800, s10;
	s25 =	sadd.s32 $0xA000, s10  }
0x8: {  	s26 =	sadd.s32 $0xC800, s10;
	s6 =	sshrl.u32 s5, $0x3;
	s11 =	smul.u32 $0x27100, s5  }
0x9: {  	s28 =	sadd.s32 $0xF000, s10;
	s12 =	sshll.u32 s5, $0xB;
	s6 =	smul.u32 $0x13C00, s6  }
0xa: {  	s29 =	sadd.s32 $0x11800, s10;
	s5 =	smul.u32 $0x138800, s5;
	s2 =	sadd.s32 s2, s12  }
0xb: {  	s6 =	sor.u32 s8, s6;
	s8 =	ssub.s32 s9, s30;
	s9 =	smul.u32 $0x140000, s4  }
0xc: {  	s12 =	sor.u32 $0x2800, s10;
	s5 =	sshrl.u32 s5, $0x3;
	s4 =	smul.u32 $0x271000, s4  }
0xd: {  	s5 =	sadd.s32 s3, s5;
	s13 =	sadd.s32 s9, s10;
	s15 =	sadd.s32 s9, s12  }
0xe: {  	s17 =	sadd.s32 s9, s23;
	s19 =	sadd.s32 s9, s24;
	s21 =	sadd.s32 s9, s25  }
0xf: {  	s30 =	sadd.s32 s9, s26;
	s23 =	sadd.s32 s23, s1;
	s24 =	sadd.s32 s24, s1  }
0x10: {  	s25 =	sadd.s32 s25, s1;
	s26 =	sadd.s32 s26, s1;
	s13 =	sshrl.u32 s13, $0x3  }
0x11: {  	s16 =	sshrl.u32 s15, $0x3;
	s18 =	sshrl.u32 s17, $0x3;
	s20 =	sshrl.u32 s19, $0x3  }
0x12: {  	s22 =	sshrl.u32 s21, $0x3;
	s15 =	sadd.s32 s9, s28;
	s9 =	sadd.s32 s9, s29  }
0x13: {  	s17 =	sadd.s32 s3, s11;
	s3 =	sadd.s32 s4, s3;
	s19 =	sshrl.u32 s6, $0x3  }
0x14: {  	s21 =	smul.u32 $0x50000, s14;
	s28 =	sadd.s32 s28, s1;
	s29 =	sadd.s32 s29, s1  }
0x15: {  	s6 =	simm.s32 $0x1;
	s10 =	sadd.s32 s7, s13;
	s13 =	sshrl.u32 s30, $0x3  }
0x16: {  	s9 =	sshrl.u32 s9, $0x3;
	[dreg:$0xd] =	wrdreg s17;
	s4 =	sadd.s32 s19, s0  }
0x17: {  	s17 =	sadd.s32 $0x500, s5;
	[dreg:$0x5] =	wrdreg s10;
	s10 =	sadd.s32 s7, s16  }
0x18: {  	s16 =	sshrl.u32 s15, $0x3;
	s19 =	sadd.s32 $0x53A00, s4;
	s30 =	sshrl.u32 s21, $0x2  }
0x19: {  	s4 =	simm.s32 $0x50;
	[dreg:$0x6] =	wrdreg s10;
	s10 =	sadd.s32 s7, s18  }
0x1a: {  	s18 =	smul.u32 $0x27100, s14;
	[dreg:$0x7] =	wrdreg s10;
	s10 =	sadd.s32 s7, s20  }
0x1b: {  	s21 =	sadd.s32 s30, s1;
	[dreg:$0x8] =	wrdreg s10;
	s10 =	sadd.s32 s7, s22  }
0x1c: {  	s20 =	sadd.s32 $0x3400, s0;
	[dreg:$0x9] =	wrdreg s10;
	s10 =	sadd.s32 s7, s13  }
0x1d: {  	s0 =	sadd.s32 $0x2E00, s0;
	[dreg:$0xa] =	wrdreg s10;
	s10 =	sadd.s32 s7, s16  }
0x1e: {  	s3 =	sadd.s32 s18, s3;
	s7 =	sadd.s32 s7, s9;
	[dreg:$0xb] =	wrdreg s10  }
0x1f: {  	s22 =	sadd.s32 $0x280, s5;
	s10 =	simm.s32 $0x0;
	[dreg:$0xc] =	wrdreg s7  }
.Ltmp0:
0x20: {  	s18 =	sadd.s32 $0x780, s5;
	[smem:$0x7FF] =	sst s10;
	(pc) =	sbr.rel .LBB2_1-.Ltmp0, $4  }
0x21: {  	s5 =	simm.s32 $0x5;
	_ =	strace $0x80000047;
	[dreg:$0xe] =	wrdreg s20  }
0x22: {  	s9 =	sadd.s32 $0xC80, s3;
	s3 =	simm.s32 $0x4;
	[dreg:$0xf] =	wrdreg s0  }
0x23: {  	s7 =	simm.s32 $0x0;
	[dreg:$0x10] =	wrdreg s22;
	s20 =	smax.u32 s8, $0x1  }
0x24: {  	v0 =	vimm.f32 $1.000000000e+00;
	s22 =	sadd.s32 s12, s1;
	s12 =	simm.s32 $0x6;
	s0 =	simm.s32 $0x14000  }
.LBB2_7:
0x25: {  	_ =	swait.ge [sflag:s5], $0x2800  }
0x26: {  	[sflag:s5] =	ssyncset.done $0x0  }
0x27: {  	s8 =	simm.s32 $0x80;
	[sflag:s5] =	ssyncadd.s32 $0xFFFFD800  }
0x28: {  	s11 =	simm.s32 $0x400;
	s13 =	stileid.u32;
	[bflag:$0x0] =	sbarrier.arrive $0xFFFF  }
0x29: {  	[hbm4b:s19+s8] =	stream.strided.scatter [tilespmem:s31], [sflag:$0x4], $0x2780, s11, s8, $0x38;
	[tilespmem:$0x1FF80] =	vst v63  }
0x2a: {  	s8 =	sshll.u32 s13, $0x6  }
0x2b: {  	s14 =	sshrl.u32 s21, $0x3;
	s13 =	rddreg [dreg:$0x5];
	s8 =	sor.u32 $0x1C01, s8  }
0x2c: {  	[hbm:s13], [sflag:s8] =	dma.local [spmem:s14], $0x500  }
0x2d: {  	s15 =	sshrl.u32 s22, $0x3;
	s13 =	rddreg [dreg:$0x6]  }
0x2e: {  	[hbm:s13], [sflag:s8] =	dma.local [spmem:s15], $0x500  }
0x2f: {  	s16 =	sshrl.u32 s23, $0x3;
	s13 =	rddreg [dreg:$0x7]  }
0x30: {  	[hbm:s13], [sflag:s8] =	dma.local [spmem:s16], $0x500  }
0x31: {  	s30 =	sshrl.u32 s24, $0x3;
	s13 =	rddreg [dreg:$0x8]  }
0x32: {  	[hbm:s13], [sflag:s8] =	dma.local [spmem:s30], $0x500  }
0x33: {  	s14 =	sshrl.u32 s25, $0x3;
	s13 =	rddreg [dreg:$0x9]  }
0x34: {  	[hbm:s13], [sflag:s8] =	dma.local [spmem:s14], $0x500  }
0x35: {  	s15 =	sshrl.u32 s26, $0x3;
	s13 =	rddreg [dreg:$0xa]  }
0x36: {  	[hbm:s13], [sflag:s8] =	dma.local [spmem:s15], $0x500  }
0x37: {  	s16 =	sshrl.u32 s28, $0x3;
	s13 =	rddreg [dreg:$0xb]  }
0x38: {  	[hbm:s13], [sflag:s8] =	dma.local [spmem:s16], $0x500  }
0x39: {  	s30 =	sshrl.u32 s29, $0x3;
	s13 =	rddreg [dreg:$0xc]  }
0x3a: {  	[hbm:s13], [sflag:s8] =	dma.local [spmem:s30], $0x500  }
0x3b: {  	_ =	swait.ge [sflag:s6], $0x500  }
0x3c: {  	[sflag:s6] =	ssyncset.done $0x0  }
0x3d: {  	[sflag:s6] =	ssyncadd.s32 $0xFFFFFB00  }
0x3e: {  	_ =	swait.ge [sflag:s6], $0x500  }
0x3f: {  	[sflag:s6] =	ssyncset.done $0x0  }
0x40: {  	[sflag:s6] =	ssyncadd.s32 $0xFFFFFB00  }
0x41: {  	_ =	swait.ge [sflag:s6], $0x500  }
0x42: {  	[sflag:s6] =	ssyncset.done $0x0  }
0x43: {  	[sflag:s6] =	ssyncadd.s32 $0xFFFFFB00  }
0x44: {  	_ =	swait.ge [sflag:s6], $0x500  }
0x45: {  	[sflag:s6] =	ssyncset.done $0x0  }
0x46: {  	[sflag:s6] =	ssyncadd.s32 $0xFFFFFB00  }
0x47: {  	_ =	swait.ge [sflag:s6], $0x500  }
0x48: {  	[sflag:s6] =	ssyncset.done $0x0  }
0x49: {  	[sflag:s6] =	ssyncadd.s32 $0xFFFFFB00  }
0x4a: {  	_ =	swait.ge [sflag:s6], $0x500  }
0x4b: {  	[sflag:s6] =	ssyncset.done $0x0  }
0x4c: {  	[sflag:s6] =	ssyncadd.s32 $0xFFFFFB00  }
0x4d: {  	_ =	swait.ge [sflag:s6], $0x500  }
0x4e: {  	[sflag:s6] =	ssyncset.done $0x0  }
0x4f: {  	s7 =	sadd.s32 $0x1, s7;
	[sflag:s6] =	ssyncadd.s32 $0xFFFFFB00  }
0x50: {  	p0 =	sne.s32 s7, s20;
	_ =	swait.ge [sflag:s6], $0x500  }
.Ltmp1:
0x51: {  	[sflag:s6] =	ssyncset.done $0x0;
	(pc) =	sbr.rel @!p0 .LBB2_8-.Ltmp1, $4  }
0x52: {  	[sflag:s6] =	ssyncadd.s32 $0xFFFFFB00  }
0x53: {  	_ =	swait.ge [sflag:s3], $0x2780  }
0x54: {  	[sflag:s3] =	ssyncset.done $0x0  }
0x55: {  	[sflag:s3] =	ssyncadd.s32 $0xFFFFD880  }
.LBB2_1:
0x56: {  	s8 =	simm.s32 $0x1B800  }
0x57: {  	[tilespmem:s8], [sflag:$0x6] =	stream.linear.gather [hbm4b:s2+s10], $0x1000, $0x38;
	[tilespmem:$0x1FF80] =	vst v63  }
0x58: {  	_ =	swait.ge [sflag:s12], $0x1000  }
0x59: {  	[sflag:s12] =	ssyncset.done $0x0  }
0x5a: {  	s16 =	rddreg [dreg:$0xe];
	[sflag:s12] =	ssyncadd.s32 $0xFFFFF000  }
0x5b: {  	[tilespmem:s0], [sflag:$0x6] =	stream.linear.gather [hbm4b:s16+s10], $0x2800, $0x38;
	[tilespmem:$0x1FF80] =	vst v63  }
0x5c: {  	_ =	swait.ge [sflag:s12], $0x2800  }
0x5d: {  	[sflag:s12] =	ssyncset.done $0x0  }
0x5e: {  	s11 =	rddreg [dreg:$0xf];
	[sflag:s12] =	ssyncadd.s32 $0xFFFFD800  }
0x5f: {  	[tilespmem:s31], [sflag:$0x6] =	stream.linear.gather [hbm4b:s11+s10], $0x2780, $0x38;
	[tilespmem:$0x1FF80] =	vst v63  }
0x60: {  	_ =	swait.ge [sflag:s12], $0x2780  }
0x61: {  	[sflag:s12] =	ssyncset.done $0x0  }
0x62: {  	[sflag:s12] =	ssyncadd.s32 $0xFFFFD880  }
0x63: {  	[spmem:s21] =	stream.linear.scatter [tilespmem:s0], [sflag:$0x4], $0x2800, $0x38;
	[tilespmem:$0x1FF80] =	vst v63  }
0x64: {  	_ = 	snop  }
0x65: {  	[spmem:s22] =	stream.linear.scatter [tilespmem:s0], [sflag:$0x4], $0x2800, $0x38;
	[tilespmem:$0x1FF80] =	vst v63  }
0x66: {  	_ = 	snop  }
0x67: {  	[spmem:s23] =	stream.linear.scatter [tilespmem:s0], [sflag:$0x4], $0x2800, $0x38;
	[tilespmem:$0x1FF80] =	vst v63  }
0x68: {  	_ = 	snop  }
0x69: {  	[spmem:s24] =	stream.linear.scatter [tilespmem:s0], [sflag:$0x4], $0x2800, $0x38;
	[tilespmem:$0x1FF80] =	vst v63  }
0x6a: {  	_ = 	snop  }
0x6b: {  	[spmem:s25] =	stream.linear.scatter [tilespmem:s0], [sflag:$0x4], $0x2800, $0x38;
	[tilespmem:$0x1FF80] =	vst v63  }
0x6c: {  	_ = 	snop  }
0x6d: {  	[spmem:s26] =	stream.linear.scatter [tilespmem:s0], [sflag:$0x4], $0x2800, $0x38;
	[tilespmem:$0x1FF80] =	vst v63  }
0x6e: {  	_ = 	snop  }
0x6f: {  	[spmem:s28] =	stream.linear.scatter [tilespmem:s0], [sflag:$0x4], $0x2800, $0x38;
	[tilespmem:$0x1FF80] =	vst v63  }
0x70: {  	_ = 	snop  }
0x71: {  	[spmem:s29] =	stream.linear.scatter [tilespmem:s0], [sflag:$0x4], $0x2800, $0x38;
	[tilespmem:$0x1FF80] =	vst v63  }
0x72: {  	_ =	swait.ge [sflag:s3], $0x2800  }
0x73: {  	[sflag:s3] =	ssyncset.done $0x0  }
0x74: {  	[sflag:s3] =	ssyncadd.s32 $0xFFFFD800  }
0x75: {  	_ =	swait.ge [sflag:s3], $0x2800  }
0x76: {  	[sflag:s3] =	ssyncset.done $0x0  }
0x77: {  	[sflag:s3] =	ssyncadd.s32 $0xFFFFD800  }
0x78: {  	_ =	swait.ge [sflag:s3], $0x2800  }
0x79: {  	[sflag:s3] =	ssyncset.done $0x0  }
0x7a: {  	[sflag:s3] =	ssyncadd.s32 $0xFFFFD800  }
0x7b: {  	_ =	swait.ge [sflag:s3], $0x2800  }
0x7c: {  	[sflag:s3] =	ssyncset.done $0x0  }
0x7d: {  	[sflag:s3] =	ssyncadd.s32 $0xFFFFD800  }
0x7e: {  	_ =	swait.ge [sflag:s3], $0x2800  }
0x7f: {  	[sflag:s3] =	ssyncset.done $0x0  }
0x80: {  	[sflag:s3] =	ssyncadd.s32 $0xFFFFD800  }
0x81: {  	_ =	swait.ge [sflag:s3], $0x2800  }
0x82: {  	[sflag:s3] =	ssyncset.done $0x0  }
0x83: {  	[sflag:s3] =	ssyncadd.s32 $0xFFFFD800  }
0x84: {  	_ =	swait.ge [sflag:s3], $0x2800  }
0x85: {  	[sflag:s3] =	ssyncset.done $0x0  }
0x86: {  	[sflag:s3] =	ssyncadd.s32 $0xFFFFD800  }
0x87: {  	_ =	swait.ge [sflag:s3], $0x2800  }
0x88: {  	[sflag:s3] =	ssyncset.done $0x0  }
0x89: {  	[sflag:s3] =	ssyncadd.s32 $0xFFFFD800  }
0x8a: {  	[bflag:$0x0] =	sbarrier.arrive $0xFFFF  }
0x8b: {  	s13 =	rddreg [dreg:$0xd]  }
0x8c: {  	[tilespmem:s0], [sflag:$0x1] =	stream.linear.gather [hbm4b:s13+s10], $0x1400, $0x38;
	[tilespmem:$0x1FF80] =	vst v63  }
0x8d: {  	s11 =	simm.s32 $0x15400;
	s14 =	rddreg [dreg:$0x10]  }
0x8e: {  	[tilespmem:s11], [sflag:$0x1] =	stream.linear.gather [hbm4b:s14+s10], $0x1400, $0x38;
	[tilespmem:$0x1FF80] =	vst v63  }
.Ltmp2:
0x8f: {  	_ = 	snop;
	(pc) =	sbr.rel .LBB2_2-.Ltmp2, $4  }
0x90: {  	s15 =	simm.s32 $0x16800;
	s30 =	smov.u32 s9  }
0x91: {  	[tilespmem:s15], [sflag:$0x2] =	stream.linear.gather [hbm4b:s17+s10], $0x1400, $0x38;
	[tilespmem:$0x1FF80] =	vst v63  }
0x92: {  	s8 =	simm.s32 $0x0;
	s16 =	simm.s32 $0x17C00;
	s11 =	simm.s32 $0x0  }
0x93: {  	[tilespmem:s16], [sflag:$0x2] =	stream.linear.gather [hbm4b:s18+s10], $0x1400, $0x38;
	[tilespmem:$0x1FF80] =	vst v63  }
.LBB2_3:
0x94: {  	s13 =	sshrl.u32 @!p1 s11, $0x5  }
0x95: {  	s13 =	simm.s32 @p0 $0x0  }
0x96: {  	s13 =	sadd.s32 $0x1, s13  }
0x97: {  	s14 =	sshll.u32 s13, $0xC  }
0x98: {  	s13 =	sshll.u32 s13, $0x9;
	s14 =	sand.u32 $0x1000, s14  }
0x99: {  	s13 =	sadd.s32 s13, s2;
	s14 =	sadd.s32 $0x1B800, s14  }
0x9a: {  	[tilespmem:s14], [sflag:$0x4] =	stream.linear.gather [hbm4b:s13+s10], $0x1000, $0x38;
	[tilespmem:$0x1FF80] =	vst v63  }
.LBB2_5:
0x9b: {  	s13 =	sadd.s32 $0x2, s11  }
0x9c: {  	s14 =	smul.u32 $0xAB, s13;
	_ =	sdelay $0x1  }
0x9d: {  	s14 =	sshrl.u32 s14, $0x9  }
0x9e: {  	s14 =	sand.u32 $0x7F, s14  }
0x9f: {  	s14 =	smul.u32 $0x3, s14;
	_ =	sdelay $0x1  }
0xa0: {  	s13 =	ssub.s32 s13, s14  }
0xa1: {  	s13 =	sand.u32 $0xFF, s13  }
0xa2: {  	s16 =	smul.u32 $0xA000, s13;
	_ =	sdelay $0x1  }
0xa3: {  	s14 =	sshrl.u32 s16, $0x2  }
0xa4: {  	s13 =	sadd.s32 $0x1, s13;
	s16 =	sadd.s32 $0xFFFFFD80, s30;
	s15 =	sadd.s32 $0x14000, s14  }
0xa5: {  	[tilespmem:s15], [sflag:s13] =	stream.linear.gather [hbm4b:s16+s10], $0x1400, $0x38;
	[tilespmem:$0x1FF80] =	vst v63  }
0xa6: {  	s14 =	sadd.s32 $0x15400, s14  }
0xa7: {  	[tilespmem:s14], [sflag:s13] =	stream.linear.gather [hbm4b:s30+s10], $0x1400, $0x38;
	[tilespmem:$0x1FF80] =	vst v63  }
.LBB2_6:
0xa8: {  	s13 =	smul.u32 $0xAB, s11;
	_ =	sdelay $0x1  }
0xa9: {  	s13 =	sshrl.u32 s13, $0x9  }
0xaa: {  	s13 =	sand.u32 $0x7F, s13  }
0xab: {  	s13 =	smul.u32 $0x3, s13;
	_ =	sdelay $0x1  }
0xac: {  	s13 =	ssub.s32 s11, s13  }
0xad: {  	s13 =	sand.u32 $0xFF, s13  }
0xae: {  	s14 =	sadd.s32 $0x1, s13  }
0xaf: {  	_ =	swait.ge [sflag:s14], $0x1400  }
0xb0: {  	[sflag:s14] =	ssyncset.done $0x0  }
0xb1: {  	s13 =	smul.u32 $0xA000, s13;
	[sflag:s14] =	ssyncadd.s32 $0xFFFFEC00  }
0xb2: {  	_ =	swait.ge [sflag:s14], $0x1400  }
0xb3: {  	s15 =	sand.u32 $0x1F80, s8;
	s13 =	sshrl.u32 s13, $0x2;
	[sflag:s14] =	ssyncset.done $0x0  }
0xb4: {  	s16 =	sadd.s32 $0x1B800, s15;
	s13 =	sadd.s32 $0x14000, s13;
	[sflag:s14] =	ssyncadd.s32 $0xFFFFEC00  }
0xb5: {  	[spmem:s1] =	stream.indirect.scatter.add.f32 [tilespmem:s13], [sflag:$0x5], $0x80, s16, s4, $0xb8;
	[tilespmem:$0x1FF80] =	vst v63  }
0xb6: {  	v1 =	vld [tilespmem:s15+$0x1B800];
	_ =	sdelay $0x7  }
0xb7: {  	[tilespmem:v1+s31+$0x0] =	vst.idx.add.f32.msk $0xffff, v0  }
0xb8: {  	v1 =	vld [tilespmem:s15+$0x1B810];
	_ =	sdelay $0x7  }
0xb9: {  	[tilespmem:v1+s31+$0x0] =	vst.idx.add.f32.msk $0xffff, v0  }
0xba: {  	v1 =	vld [tilespmem:s15+$0x1B820];
	_ =	sdelay $0x7  }
0xbb: {  	[tilespmem:v1+s31+$0x0] =	vst.idx.add.f32.msk $0xffff, v0  }
0xbc: {  	v1 =	vld [tilespmem:s15+$0x1B830];
	_ =	sdelay $0x7  }
0xbd: {  	[tilespmem:v1+s31+$0x0] =	vst.idx.add.f32.msk $0xffff, v0  }
0xbe: {  	v1 =	vld [tilespmem:s15+$0x1B840];
	_ =	sdelay $0x1  }
0xbf: {  	s11 =	sadd.s32 $0x1, s11  }
0xc0: {  	p0 =	sne.s32 s11, $0x7D  }
.Ltmp3:
0xc1: {  	_ = 	snop;
	(pc) =	sbr.rel @!p0 .LBB2_7-.Ltmp3, $2  }
0xc2: {  	_ =	sdelay $0x2  }
0xc3: {  	s30 =	sadd.s32 $0x500, s30;
	s8 =	sadd.s32 $0x80, s8;
	[tilespmem:v1+s31+$0x0] =	vst.idx.add.f32.msk $0xffff, v0  }
.LBB2_2:
0xc4: {  	p0 =	seq.s32 s11, $0x0  }
0xc5: {  	s14 =	sand.u32 @!p0 $0x1F, s11  }
0xc6: {  	p2 =	sne.s32 @!p0 s14, $0x0  }
0xc7: {  	p1 =	por p2, p0  }
0xc8: {  	p3 =	sgt.u32 @!p1 s11, $0x5F  }
0xc9: {  	s13 =	simm.s32 @!p0 $0x5;
	p2 =	por @!p0 p2, p3  }
0xca: {  	_ =	swait.ge @!p0 [sflag:s13], $0x2800;
	p2 =	por p0, !p2  }
.Ltmp4:
0xcb: {  	[sflag:s13] =	ssyncset.done @!p0 $0x0;
	(pc) =	sbr.rel @p2 .LBB2_3-.Ltmp4, $4  }
0xcc: {  	[sflag:s13] =	ssyncadd.s32 @!p0 $0xFFFFD800;
	s13 =	simm.s32 @!p1 $0x4  }
0xcd: {  	_ =	swait.ge @!p1 [sflag:s13], $0x1000  }
0xce: {  	[sflag:s13] =	ssyncset.done @!p1 $0x0  }
0xcf: {  	[sflag:s13] =	ssyncadd.s32 @!p1 $0xFFFFF000  }
0xd0: {  	p0 =	sgt.u32 s11, $0x7A  }
.Ltmp5:
0xd1: {  	_ = 	snop;
	(pc) =	sbr.rel @p0 .LBB2_6-.Ltmp5, $4  }
.Ltmp6:
0xd2: {  	_ = 	snop;
	(pc) =	sbr.rel @!p0 .LBB2_5-.Ltmp6, $4  }
0xd3: {  	_ = 	snop  }
0xd4: {  	_ = 	snop  }
0xd5: {  	_ = 	snop  }
0xd6: {  	_ = 	snop  }
.LBB2_8:
0xd7: {  	_ =	sfence.sel $0x180000  }
0xd8: {  	[bflag:$0x0] =	sbarrier.arrive $0xFFFF  }
0xd9: {  	_ =	strace $0x90000047  }
0xda: {  	s0 =	stileid.u32;
	[bflag:$0x2] =	sbarrier.arrive $0xFFFF  }
0xdb: {  	p0 =	sne.s32 s0, $0x0;
	s0 =	rddreg [dreg:$0x4]  }
0xdc: {  	s0 =	sadd.s32 @!p0 $0x100000, s0  }
0xdd: {  	[sflag:s0] =	ssyncadd.tile.s32 @!p0 $0x1;
	_ =	shalt  }
.Lfunc_end2:
_tile_overlayer_lowered:
.L_overlay_start_2:
0xde: {  	(tag) =	ssettag $0x2  }
0xdf: {  	s0 =	rddreg [dreg:$0x0];
	s2 =	stileid.u32  }
0xe0: {  	s1 =	rddreg [dreg:$0x1];
	p0 =	sne.s32 s2, $0x0  }
0xe1: {  	s3 =	rddreg [dreg:$0x2];
	[bflag:$0x3] =	sbarrier.arrive $0xFFFF;
	s2 =	simm.s32 @!p0 $0x1C06  }
0xe2: {  	[timem:s3], [sflag:s2] =	dma.local @!p0 [hbm:s0], s1  }
0xe3: {  	s0 =	simm.s32 @!p0 $0x6  }
0xe4: {  	_ =	swait.ge @!p0 [sflag:s0], s1  }
0xe5: {  	s1 =	ssub.s32 @!p0 $0x0, s1;
	[sflag:s0] =	ssyncset.done @!p0 $0x0  }
0xe6: {  	[sflag:s0] =	ssyncadd.s32 @!p0 s1  }
0xe7: {  	[bflag:$0x3] =	sbarrier.arrive $0xFFFF  }
0xe8: {  	_ =	shalt  }

</sc_bundles>
